<compile_context>
chip_gen: v7x
topology: tpu7x:2x2x1
jax: 0.10.2.dev20260603
libtpu: 0.0.44.dev20260713+nightly
codegen_flags: <defaults>
</compile_context>

<pallas_src>
import functools

import jax
import jax.numpy as jnp
from jax import lax
from jax.experimental import pallas as pl
from jax.experimental.pallas import tpu as pltpu
from jax.experimental.pallas import tpu_sc as plsc

D = 32
NC = 2
NS = 16
NW = NC * NS
B = 16384
H = 200
BPW = B // NW
BBLK = 128
NBB = BPW // BBLK


@functools.lru_cache(maxsize=None)
def _fn():
    mesh = plsc.VectorSubcoreMesh(core_axis_name="c", subcore_axis_name="s")

    @functools.partial(
        pl.kernel,
        mesh=mesh,
        out_type=jax.ShapeDtypeStruct((H, D, B), jnp.float32),
        scratch_types=[
            pltpu.VMEM((BBLK * H,), jnp.int32),
            pltpu.VMEM((BBLK,), jnp.int32),
            pltpu.VMEM((BBLK,), jnp.int32),
            pltpu.VMEM((BBLK,), jnp.int32),
            pltpu.VMEM((BBLK,), jnp.int32),
            pltpu.VMEM((BBLK, 128), jnp.float32),
            pltpu.VMEM((BBLK, 128), jnp.float32),
            pltpu.VMEM((D, BBLK), jnp.float32),
            pltpu.VMEM((D, BBLK), jnp.float32),
            pltpu.SemaphoreType.DMA((2,)),
            pltpu.SemaphoreType.DMA((2,)),
        ],
        compiler_params=pltpu.CompilerParams(
            use_tc_tiling_on_sc=True, needs_layout_passes=False),
    )
    def fn(idx_hbm, lines_hbm, out_hbm, ichunk, jb0, jb1, qb0, qb1,
           ln0, ln1, ot0, ot1, gsem, osem):
        wid = lax.axis_index("s") * NC + lax.axis_index("c")
        b0 = wid * BPW
        jbs = (jb0, jb1)
        qbs = (qb0, qb1)
        lns = (ln0, ln1)
        ots = (ot0, ot1)

        def build_jbuf(par, h, iota200):
            jb, qb = jbs[par], qbs[par]
            for g in range(8):
                pos = iota200 + (g * 16 * H + h)
                v = plsc.load_gather(ichunk, [pos])
                jb[pl.ds(g * 16, 16)] = v >> 2
                qb[pl.ds(g * 16, 16)] = (v & 3) << 5

        def fire(par):
            return pltpu.make_async_copy(
                lines_hbm.at[jbs[par]], lns[par], gsem.at[par])

        def shuffle(par, iota16):
            ln, qb, ot = lns[par], qbs[par], ots[par]

            @plsc.parallel_loop(0, D * 8, unroll=16)
            def _(i):
                d = i & (D - 1)
                g = i >> 5
                b16 = iota16 + g * 16
                qv = qb[pl.ds(g * 16, 16)]
                val = plsc.load_gather(ln, [b16, qv + d])
                ot[d, pl.ds(g * 16, 16)] = val

        def out_copy(par, h, babs):
            return pltpu.make_async_copy(
                ots[par],
                out_hbm.at[h, :, pl.ds(babs, BBLK)],
                osem.at[par])

        def bblock(bb, car):
            iota200, iota16 = car
            babs = b0 + bb * BBLK
            pltpu.sync_copy(idx_hbm.at[pl.ds(babs * H, BBLK * H)], ichunk)
            build_jbuf(0, 0, iota200)
            fire(0).start()

            def body(h2, car2):
                i200, i16 = car2
                h = 2 * h2
                build_jbuf(1, h + 1, i200)
                fire(1).start()
                fire(0).wait()

                @pl.when(h2 > 0)
                def _():
                    out_copy(0, h, babs).wait()

                shuffle(0, i16)
                out_copy(0, h, babs).start()

                @pl.when(h2 < H // 2 - 1)
                def _():
                    build_jbuf(0, h + 2, i200)
                    fire(0).start()

                fire(1).wait()

                @pl.when(h2 > 0)
                def _():
                    out_copy(1, h + 1, babs).wait()

                shuffle(1, i16)
                out_copy(1, h + 1, babs).start()
                return car2

            lax.fori_loop(0, H // 2, body, (iota200, iota16))
            out_copy(0, H - 2, babs).wait()
            out_copy(1, H - 1, babs).wait()
            return car

        iota16 = lax.iota(jnp.int32, 16)
        lax.fori_loop(0, NBB, bblock, (iota16 * H, iota16))

    return fn


def kernel(input, table):
    idx = input.reshape(B * H)
    lines = table.reshape(250000, 128)
    out = _fn()(idx, lines)
    return jnp.transpose(out, (2, 0, 1))

# --- scband reference (transcript-rebuilt; emitter-appended) ---
"""Pipeline reference for scband-embedding-layer-5643587027378 (READ-ONLY COPY).

The authoritative reference and input builder live on the scoring server;
editing this copy changes nothing except your own understanding.
"""

import jax, jax.numpy as jnp
import numpy as np

VOCAB = 1000000
EMBED_DIM = 32
BATCH = 16384
HIST = 200

def setup_inputs(seed: int = 0) -> dict:
    key = jax.random.key(seed)
    k1, k2 = jax.random.split(key)
    input = jax.random.randint(k1, (BATCH, HIST), 0, VOCAB, dtype=jnp.int64 if jax.config.read('jax_enable_x64') else jnp.int32)
    table = jax.random.normal(k2, (VOCAB, EMBED_DIM), dtype=jnp.float32)
    return {"input": input, "table": table}

def reference(input, table):
    # EmbeddingLayer.forward: embedding lookup followed by dropout.
    # dropout rate is 0.0 (and dropout is identity in eval mode), so it is a no-op.
    embedded_words = jnp.take(table, input, axis=0)
    final_embeddings = embedded_words  # dropout(p=0.0) -> identity
    return final_embeddings

if __name__ == "__main__":
    import jax
    _d = setup_inputs()
    print(jax.jit(kernel)(*tuple(_d.values())))

</pallas_src>

<mosaic_0001>
#map = affine_map<(d0, d1) -> (0)>
#map1 = affine_map<(d0, d1) -> (0, 0)>
#map2 = affine_map<(d0, d1) -> (0, 0, 0)>
module attributes {stable_mosaic.version = 14 : i64} {
  func.func @fn(%arg0: i32, %arg1: i32, %arg2: memref<3276800xi32, #tpu.memory_space<hbm>>, %arg3: memref<250000x128xf32, #tpu.memory_space<hbm>>, %arg4: memref<200x32x16384xf32, #tpu.memory_space<hbm>>, %arg5: memref<25600xi32, #tpu.memory_space<vmem>>, %arg6: memref<128xi32, #tpu.memory_space<vmem>>, %arg7: memref<128xi32, #tpu.memory_space<vmem>>, %arg8: memref<128xi32, #tpu.memory_space<vmem>>, %arg9: memref<128xi32, #tpu.memory_space<vmem>>, %arg10: memref<128x128xf32, #tpu.memory_space<vmem>>, %arg11: memref<128x128xf32, #tpu.memory_space<vmem>>, %arg12: memref<32x128xf32, #tpu.memory_space<vmem>>, %arg13: memref<32x128xf32, #tpu.memory_space<vmem>>, %arg14: memref<2x!tpu.dma_semaphore, #tpu.memory_space<semaphore_mem>>, %arg15: memref<2x!tpu.dma_semaphore, #tpu.memory_space<semaphore_mem>>) attributes {dimension_semantics = [#tpu.dimension_semantics<core_parallel>, #tpu.dimension_semantics<subcore_parallel>], iteration_bounds = array<i64: 2, 16>, scalar_prefetch = 0 : i64, scratch_operands = 11 : i64, tpu.core_type = #tpu.core_type<sc_vector_subcore>, window_params = [{transform_indices = #map}, {transform_indices = #map1}, {transform_indices = #map2}]} {
    %mul3A = arith.constant 2 : i32
    %mul3A_0 = arith.muli %arg1, %mul3A : i32
    %add3A = arith.addi %mul3A_0, %arg0 : i32
    %mul3A_1 = arith.constant 512 : i32
    %mul3A_2 = arith.muli %add3A, %mul3A_1 : i32
    %iota3A = tpu.iota {dimensions = array<i32: 0>} : vector<16xi32>
    %mul3A_3 = arith.constant 200 : i32
    %mul3A_4 = vector.broadcast %mul3A_3 : i32 to vector<16xi32>
    %mul3A_5 = arith.muli %iota3A, %mul3A_4 : vector<16xi32>
    %scan3A = arith.constant 0 : i32
    %scan3A_6 = arith.constant 4 : i32
    %scan3A_7 = arith.addi %scan3A, %scan3A_6 : i32
    %scan3A_8 = arith.constant 1 : i32
    scf.for %scan3A_10 = %scan3A to %scan3A_7 step %scan3A_8  : i32 {
      %mul3A_11 = arith.constant 128 : i32
      %mul3A_12 = arith.muli %scan3A_10, %mul3A_11 : i32
      %add3A_13 = arith.addi %mul3A_2, %mul3A_12 : i32
      %mul3A_14 = arith.constant 200 : i32
      %mul3A_15 = arith.muli %add3A_13, %mul3A_14 : i32
      "tpu.region"() ({
        %run_scoped3A = tpu.sem_alloc : memref<!tpu.dma_semaphore, #tpu.memory_space<semaphore_mem>>
        %dma_start3A_176 = tpu.memref_slice %arg2[%mul3A_15] : memref<3276800xi32, #tpu.memory_space<hbm>> -> memref<25600xi32, #tpu.memory_space<hbm>>
        %dma_start3A_177 = tpu.memref_slice %arg2[%mul3A_15] : memref<3276800xi32, #tpu.memory_space<hbm>> -> memref<25600xi32, #tpu.memory_space<hbm>>
        tpu.enqueue_dma source(%dma_start3A_177 : memref<25600xi32, #tpu.memory_space<hbm>>) target(%arg5 : memref<25600xi32, #tpu.memory_space<vmem>>) target_semaphore(%run_scoped3A : memref<!tpu.dma_semaphore, #tpu.memory_space<semaphore_mem>>)
        %dma_wait3A_178 = tpu.memref_slice %arg2[%mul3A_15] : memref<3276800xi32, #tpu.memory_space<hbm>> -> memref<25600xi32, #tpu.memory_space<hbm>>
        %dma_wait3A_179 = tpu.memref_slice %arg2[%mul3A_15] : memref<3276800xi32, #tpu.memory_space<hbm>> -> memref<25600xi32, #tpu.memory_space<hbm>>
        tpu.wait_dma2 semaphore(%run_scoped3A : memref<!tpu.dma_semaphore, #tpu.memory_space<semaphore_mem>>) src(%dma_wait3A_179 : memref<25600xi32, #tpu.memory_space<hbm>>) dst(%arg5 : memref<25600xi32, #tpu.memory_space<vmem>>)
        tpu.yield
      }) : () -> ()
      %add3A_16 = arith.constant 0 : i32
      %add3A_17 = vector.broadcast %add3A_16 : i32 to vector<16xi32>
      %add3A_18 = arith.addi %mul3A_5, %add3A_17 : vector<16xi32>
      %gather3A = tpu.vector_load_idx %arg5[%add3A_18] : memref<25600xi32, #tpu.memory_space<vmem>>[vector<16xi32>], vector<16xi32>,
      %shift_right_arithmetic3A = arith.constant 2 : i32
      %shift_right_arithmetic3A_19 = vector.broadcast %shift_right_arithmetic3A : i32 to vector<16xi32>
      %shift_right_arithmetic3A_20 = arith.shrsi %gather3A, %shift_right_arithmetic3A_19 : vector<16xi32>
      %swap3A = arith.constant 0 : index
      %swap3A_21 = tpu.vector_load %arg6[%swap3A] {strides = array<i32>} : memref<128xi32, #tpu.memory_space<vmem>>, vector<16xi32>,
      tpu.vector_store %arg6[%swap3A], %shift_right_arithmetic3A_20 {strides = array<i32>} : memref<128xi32, #tpu.memory_space<vmem>>, vector<16xi32>,
      %and3A = arith.constant 3 : i32
      %and3A_22 = vector.broadcast %and3A : i32 to vector<16xi32>
      %and3A_23 = arith.andi %gather3A, %and3A_22 : vector<16xi32>
      %shift_left3A = arith.constant 5 : i32
      %shift_left3A_24 = vector.broadcast %shift_left3A : i32 to vector<16xi32>
      %shift_left3A_25 = arith.shli %and3A_23, %shift_left3A_24 : vector<16xi32>
      %swap3A_26 = arith.constant 0 : index
      %swap3A_27 = tpu.vector_load %arg8[%swap3A_26] {strides = array<i32>} : memref<128xi32, #tpu.memory_space<vmem>>, vector<16xi32>,
      tpu.vector_store %arg8[%swap3A_26], %shift_left3A_25 {strides = array<i32>} : memref<128xi32, #tpu.memory_space<vmem>>, vector<16xi32>,
      %add3A_28 = arith.constant 3200 : i32
      %add3A_29 = vector.broadcast %add3A_28 : i32 to vector<16xi32>
      %add3A_30 = arith.addi %mul3A_5, %add3A_29 : vector<16xi32>
      %gather3A_31 = tpu.vector_load_idx %arg5[%add3A_30] : memref<25600xi32, #tpu.memory_space<vmem>>[vector<16xi32>], vector<16xi32>,
      %shift_right_arithmetic3A_32 = arith.constant 2 : i32
      %shift_right_arithmetic3A_33 = vector.broadcast %shift_right_arithmetic3A_32 : i32 to vector<16xi32>
      %shift_right_arithmetic3A_34 = arith.shrsi %gather3A_31, %shift_right_arithmetic3A_33 : vector<16xi32>
      %swap3A_35 = arith.constant 16 : index
      %swap3A_36 = tpu.vector_load %arg6[%swap3A_35] {strides = array<i32>} : memref<128xi32, #tpu.memory_space<vmem>>, vector<16xi32>,
      tpu.vector_store %arg6[%swap3A_35], %shift_right_arithmetic3A_34 {strides = array<i32>} : memref<128xi32, #tpu.memory_space<vmem>>, vector<16xi32>,
      %and3A_37 = arith.constant 3 : i32
      %and3A_38 = vector.broadcast %and3A_37 : i32 to vector<16xi32>
      %and3A_39 = arith.andi %gather3A_31, %and3A_38 : vector<16xi32>
      %shift_left3A_40 = arith.constant 5 : i32
      %shift_left3A_41 = vector.broadcast %shift_left3A_40 : i32 to vector<16xi32>
      %shift_left3A_42 = arith.shli %and3A_39, %shift_left3A_41 : vector<16xi32>
      %swap3A_43 = arith.constant 16 : index
      %swap3A_44 = tpu.vector_load %arg8[%swap3A_43] {strides = array<i32>} : memref<128xi32, #tpu.memory_space<vmem>>, vector<16xi32>,
      tpu.vector_store %arg8[%swap3A_43], %shift_left3A_42 {strides = array<i32>} : memref<128xi32, #tpu.memory_space<vmem>>, vector<16xi32>,
      %add3A_45 = arith.constant 6400 : i32
      %add3A_46 = vector.broadcast %add3A_45 : i32 to vector<16xi32>
      %add3A_47 = arith.addi %mul3A_5, %add3A_46 : vector<16xi32>
      %gather3A_48 = tpu.vector_load_idx %arg5[%add3A_47] : memref<25600xi32, #tpu.memory_space<vmem>>[vector<16xi32>], vector<16xi32>,
      %shift_right_arithmetic3A_49 = arith.constant 2 : i32
      %shift_right_arithmetic3A_50 = vector.broadcast %shift_right_arithmetic3A_49 : i32 to vector<16xi32>
      %shift_right_arithmetic3A_51 = arith.shrsi %gather3A_48, %shift_right_arithmetic3A_50 : vector<16xi32>
      %swap3A_52 = arith.constant 32 : index
      %swap3A_53 = tpu.vector_load %arg6[%swap3A_52] {strides = array<i32>} : memref<128xi32, #tpu.memory_space<vmem>>, vector<16xi32>,
      tpu.vector_store %arg6[%swap3A_52], %shift_right_arithmetic3A_51 {strides = array<i32>} : memref<128xi32, #tpu.memory_space<vmem>>, vector<16xi32>,
      %and3A_54 = arith.constant 3 : i32
      %and3A_55 = vector.broadcast %and3A_54 : i32 to vector<16xi32>
      %and3A_56 = arith.andi %gather3A_48, %and3A_55 : vector<16xi32>
      %shift_left3A_57 = arith.constant 5 : i32
      %shift_left3A_58 = vector.broadcast %shift_left3A_57 : i32 to vector<16xi32>
      %shift_left3A_59 = arith.shli %and3A_56, %shift_left3A_58 : vector<16xi32>
      %swap3A_60 = arith.constant 32 : index
      %swap3A_61 = tpu.vector_load %arg8[%swap3A_60] {strides = array<i32>} : memref<128xi32, #tpu.memory_space<vmem>>, vector<16xi32>,
      tpu.vector_store %arg8[%swap3A_60], %shift_left3A_59 {strides = array<i32>} : memref<128xi32, #tpu.memory_space<vmem>>, vector<16xi32>,
      %add3A_62 = arith.constant 9600 : i32
      %add3A_63 = vector.broadcast %add3A_62 : i32 to vector<16xi32>
      %add3A_64 = arith.addi %mul3A_5, %add3A_63 : vector<16xi32>
      %gather3A_65 = tpu.vector_load_idx %arg5[%add3A_64] : memref<25600xi32, #tpu.memory_space<vmem>>[vector<16xi32>], vector<16xi32>,
      %shift_right_arithmetic3A_66 = arith.constant 2 : i32
      %shift_right_arithmetic3A_67 = vector.broadcast %shift_right_arithmetic3A_66 : i32 to vector<16xi32>
      %shift_right_arithmetic3A_68 = arith.shrsi %gather3A_65, %shift_right_arithmetic3A_67 : vector<16xi32>
      %swap3A_69 = arith.constant 48 : index
      %swap3A_70 = tpu.vector_load %arg6[%swap3A_69] {strides = array<i32>} : memref<128xi32, #tpu.memory_space<vmem>>, vector<16xi32>,
      tpu.vector_store %arg6[%swap3A_69], %shift_right_arithmetic3A_68 {strides = array<i32>} : memref<128xi32, #tpu.memory_space<vmem>>, vector<16xi32>,
      %and3A_71 = arith.constant 3 : i32
      %and3A_72 = vector.broadcast %and3A_71 : i32 to vector<16xi32>
      %and3A_73 = arith.andi %gather3A_65, %and3A_72 : vector<16xi32>
      %shift_left3A_74 = arith.constant 5 : i32
      %shift_left3A_75 = vector.broadcast %shift_left3A_74 : i32 to vector<16xi32>
      %shift_left3A_76 = arith.shli %and3A_73, %shift_left3A_75 : vector<16xi32>
      %swap3A_77 = arith.constant 48 : index
      %swap3A_78 = tpu.vector_load %arg8[%swap3A_77] {strides = array<i32>} : memref<128xi32, #tpu.memory_space<vmem>>, vector<16xi32>,
      tpu.vector_store %arg8[%swap3A_77], %shift_left3A_76 {strides = array<i32>} : memref<128xi32, #tpu.memory_space<vmem>>, vector<16xi32>,
      %add3A_79 = arith.constant 12800 : i32
      %add3A_80 = vector.broadcast %add3A_79 : i32 to vector<16xi32>
      %add3A_81 = arith.addi %mul3A_5, %add3A_80 : vector<16xi32>
      %gather3A_82 = tpu.vector_load_idx %arg5[%add3A_81] : memref<25600xi32, #tpu.memory_space<vmem>>[vector<16xi32>], vector<16xi32>,
      %shift_right_arithmetic3A_83 = arith.constant 2 : i32
      %shift_right_arithmetic3A_84 = vector.broadcast %shift_right_arithmetic3A_83 : i32 to vector<16xi32>
      %shift_right_arithmetic3A_85 = arith.shrsi %gather3A_82, %shift_right_arithmetic3A_84 : vector<16xi32>
      %swap3A_86 = arith.constant 64 : index
      %swap3A_87 = tpu.vector_load %arg6[%swap3A_86] {strides = array<i32>} : memref<128xi32, #tpu.memory_space<vmem>>, vector<16xi32>,
      tpu.vector_store %arg6[%swap3A_86], %shift_right_arithmetic3A_85 {strides = array<i32>} : memref<128xi32, #tpu.memory_space<vmem>>, vector<16xi32>,
      %and3A_88 = arith.constant 3 : i32
      %and3A_89 = vector.broadcast %and3A_88 : i32 to vector<16xi32>
      %and3A_90 = arith.andi %gather3A_82, %and3A_89 : vector<16xi32>
      %shift_left3A_91 = arith.constant 5 : i32
      %shift_left3A_92 = vector.broadcast %shift_left3A_91 : i32 to vector<16xi32>
      %shift_left3A_93 = arith.shli %and3A_90, %shift_left3A_92 : vector<16xi32>
      %swap3A_94 = arith.constant 64 : index
      %swap3A_95 = tpu.vector_load %arg8[%swap3A_94] {strides = array<i32>} : memref<128xi32, #tpu.memory_space<vmem>>, vector<16xi32>,
      tpu.vector_store %arg8[%swap3A_94], %shift_left3A_93 {strides = array<i32>} : memref<128xi32, #tpu.memory_space<vmem>>, vector<16xi32>,
      %add3A_96 = arith.constant 16000 : i32
      %add3A_97 = vector.broadcast %add3A_96 : i32 to vector<16xi32>
      %add3A_98 = arith.addi %mul3A_5, %add3A_97 : vector<16xi32>
      %gather3A_99 = tpu.vector_load_idx %arg5[%add3A_98] : memref<25600xi32, #tpu.memory_space<vmem>>[vector<16xi32>], vector<16xi32>,
      %shift_right_arithmetic3A_100 = arith.constant 2 : i32
      %shift_right_arithmetic3A_101 = vector.broadcast %shift_right_arithmetic3A_100 : i32 to vector<16xi32>
      %shift_right_arithmetic3A_102 = arith.shrsi %gather3A_99, %shift_right_arithmetic3A_101 : vector<16xi32>
      %swap3A_103 = arith.constant 80 : index
      %swap3A_104 = tpu.vector_load %arg6[%swap3A_103] {strides = array<i32>} : memref<128xi32, #tpu.memory_space<vmem>>, vector<16xi32>,
      tpu.vector_store %arg6[%swap3A_103], %shift_right_arithmetic3A_102 {strides = array<i32>} : memref<128xi32, #tpu.memory_space<vmem>>, vector<16xi32>,
      %and3A_105 = arith.constant 3 : i32
      %and3A_106 = vector.broadcast %and3A_105 : i32 to vector<16xi32>
      %and3A_107 = arith.andi %gather3A_99, %and3A_106 : vector<16xi32>
      %shift_left3A_108 = arith.constant 5 : i32
      %shift_left3A_109 = vector.broadcast %shift_left3A_108 : i32 to vector<16xi32>
      %shift_left3A_110 = arith.shli %and3A_107, %shift_left3A_109 : vector<16xi32>
      %swap3A_111 = arith.constant 80 : index
      %swap3A_112 = tpu.vector_load %arg8[%swap3A_111] {strides = array<i32>} : memref<128xi32, #tpu.memory_space<vmem>>, vector<16xi32>,
      tpu.vector_store %arg8[%swap3A_111], %shift_left3A_110 {strides = array<i32>} : memref<128xi32, #tpu.memory_space<vmem>>, vector<16xi32>,
      %add3A_113 = arith.constant 19200 : i32
      %add3A_114 = vector.broadcast %add3A_113 : i32 to vector<16xi32>
      %add3A_115 = arith.addi %mul3A_5, %add3A_114 : vector<16xi32>
      %gather3A_116 = tpu.vector_load_idx %arg5[%add3A_115] : memref<25600xi32, #tpu.memory_space<vmem>>[vector<16xi32>], vector<16xi32>,
      %shift_right_arithmetic3A_117 = arith.constant 2 : i32
      %shift_right_arithmetic3A_118 = vector.broadcast %shift_right_arithmetic3A_117 : i32 to vector<16xi32>
      %shift_right_arithmetic3A_119 = arith.shrsi %gather3A_116, %shift_right_arithmetic3A_118 : vector<16xi32>
      %swap3A_120 = arith.constant 96 : index
      %swap3A_121 = tpu.vector_load %arg6[%swap3A_120] {strides = array<i32>} : memref<128xi32, #tpu.memory_space<vmem>>, vector<16xi32>,
      tpu.vector_store %arg6[%swap3A_120], %shift_right_arithmetic3A_119 {strides = array<i32>} : memref<128xi32, #tpu.memory_space<vmem>>, vector<16xi32>,
      %and3A_122 = arith.constant 3 : i32
      %and3A_123 = vector.broadcast %and3A_122 : i32 to vector<16xi32>
      %and3A_124 = arith.andi %gather3A_116, %and3A_123 : vector<16xi32>
      %shift_left3A_125 = arith.constant 5 : i32
      %shift_left3A_126 = vector.broadcast %shift_left3A_125 : i32 to vector<16xi32>
      %shift_left3A_127 = arith.shli %and3A_124, %shift_left3A_126 : vector<16xi32>
      %swap3A_128 = arith.constant 96 : index
      %swap3A_129 = tpu.vector_load %arg8[%swap3A_128] {strides = array<i32>} : memref<128xi32, #tpu.memory_space<vmem>>, vector<16xi32>,
      tpu.vector_store %arg8[%swap3A_128], %shift_left3A_127 {strides = array<i32>} : memref<128xi32, #tpu.memory_space<vmem>>, vector<16xi32>,
      %add3A_130 = arith.constant 22400 : i32
      %add3A_131 = vector.broadcast %add3A_130 : i32 to vector<16xi32>
      %add3A_132 = arith.addi %mul3A_5, %add3A_131 : vector<16xi32>
      %gather3A_133 = tpu.vector_load_idx %arg5[%add3A_132] : memref<25600xi32, #tpu.memory_space<vmem>>[vector<16xi32>], vector<16xi32>,
      %shift_right_arithmetic3A_134 = arith.constant 2 : i32
      %shift_right_arithmetic3A_135 = vector.broadcast %shift_right_arithmetic3A_134 : i32 to vector<16xi32>
      %shift_right_arithmetic3A_136 = arith.shrsi %gather3A_133, %shift_right_arithmetic3A_135 : vector<16xi32>
      %swap3A_137 = arith.constant 112 : index
      %swap3A_138 = tpu.vector_load %arg6[%swap3A_137] {strides = array<i32>} : memref<128xi32, #tpu.memory_space<vmem>>, vector<16xi32>,
      tpu.vector_store %arg6[%swap3A_137], %shift_right_arithmetic3A_136 {strides = array<i32>} : memref<128xi32, #tpu.memory_space<vmem>>, vector<16xi32>,
      %and3A_139 = arith.constant 3 : i32
      %and3A_140 = vector.broadcast %and3A_139 : i32 to vector<16xi32>
      %and3A_141 = arith.andi %gather3A_133, %and3A_140 : vector<16xi32>
      %shift_left3A_142 = arith.constant 5 : i32
      %shift_left3A_143 = vector.broadcast %shift_left3A_142 : i32 to vector<16xi32>
      %shift_left3A_144 = arith.shli %and3A_141, %shift_left3A_143 : vector<16xi32>
      %swap3A_145 = arith.constant 112 : index
      %swap3A_146 = tpu.vector_load %arg8[%swap3A_145] {strides = array<i32>} : memref<128xi32, #tpu.memory_space<vmem>>, vector<16xi32>,
      tpu.vector_store %arg8[%swap3A_145], %shift_left3A_144 {strides = array<i32>} : memref<128xi32, #tpu.memory_space<vmem>>, vector<16xi32>,
      %dma_start3A = arith.constant 0 : i32
      %dma_start3A_147 = arith.constant 0 : i32
      %dma_start3A_148 = arith.constant 0 : i32
      %dma_start3A_149 = tpu.memref_slice %arg3[%dma_start3A_147, %dma_start3A_148] : memref<250000x128xf32, #tpu.memory_space<hbm>> -> memref<250000x128xf32, #tpu.memory_space<hbm>>
      %dma_start3A_150 = tpu.memref_slice %arg14[%dma_start3A] : memref<2x!tpu.dma_semaphore, #tpu.memory_space<semaphore_mem>> -> memref<1x!tpu.dma_semaphore, #tpu.memory_space<semaphore_mem>>
      %dma_start3A_151 = tpu.memref_squeeze %dma_start3A_150 : memref<1x!tpu.dma_semaphore, #tpu.memory_space<semaphore_mem>> -> memref<!tpu.dma_semaphore, #tpu.memory_space<semaphore_mem>>
      tpu.enqueue_indirect_dma source(%dma_start3A_149 : memref<250000x128xf32, #tpu.memory_space<hbm>>) target(%arg10 : memref<128x128xf32, #tpu.memory_space<vmem>>) offsets(%arg6 : memref<128xi32, #tpu.memory_space<vmem>>) semaphore(%dma_start3A_151 : memref<!tpu.dma_semaphore, #tpu.memory_space<semaphore_mem>>)
      %scan3A_152 = arith.constant 0 : i32
      %scan3A_153 = arith.constant 100 : i32
      %scan3A_154 = arith.addi %scan3A_152, %scan3A_153 : i32
      %scan3A_155 = arith.constant 1 : i32
      scf.for %scan3A_176 = %scan3A_152 to %scan3A_154 step %scan3A_155  : i32 {
        %mul3A_177 = arith.constant 2 : i32
        %mul3A_178 = arith.muli %mul3A_177, %scan3A_176 : i32
        %add3A_179 = arith.constant 1 : i32
        %add3A_180 = arith.addi %mul3A_178, %add3A_179 : i32
        %add3A_181 = arith.constant 0 : i32
        %add3A_182 = arith.addi %add3A_181, %add3A_180 : i32
        %add3A_183 = vector.broadcast %add3A_182 : i32 to vector<16xi32>
        %add3A_184 = arith.addi %mul3A_5, %add3A_183 : vector<16xi32>
        %gather3A_185 = tpu.vector_load_idx %arg5[%add3A_184] : memref<25600xi32, #tpu.memory_space<vmem>>[vector<16xi32>], vector<16xi32>,
        %shift_right_arithmetic3A_186 = arith.constant 2 : i32
        %shift_right_arithmetic3A_187 = vector.broadcast %shift_right_arithmetic3A_186 : i32 to vector<16xi32>
        %shift_right_arithmetic3A_188 = arith.shrsi %gather3A_185, %shift_right_arithmetic3A_187 : vector<16xi32>
        %swap3A_189 = arith.constant 0 : index
        %swap3A_190 = tpu.vector_load %arg7[%swap3A_189] {strides = array<i32>} : memref<128xi32, #tpu.memory_space<vmem>>, vector<16xi32>,
        tpu.vector_store %arg7[%swap3A_189], %shift_right_arithmetic3A_188 {strides = array<i32>} : memref<128xi32, #tpu.memory_space<vmem>>, vector<16xi32>,
        %and3A_191 = arith.constant 3 : i32
        %and3A_192 = vector.broadcast %and3A_191 : i32 to vector<16xi32>
        %and3A_193 = arith.andi %gather3A_185, %and3A_192 : vector<16xi32>
        %shift_left3A_194 = arith.constant 5 : i32
        %shift_left3A_195 = vector.broadcast %shift_left3A_194 : i32 to vector<16xi32>
        %shift_left3A_196 = arith.shli %and3A_193, %shift_left3A_195 : vector<16xi32>
        %swap3A_197 = arith.constant 0 : index
        %swap3A_198 = tpu.vector_load %arg9[%swap3A_197] {strides = array<i32>} : memref<128xi32, #tpu.memory_space<vmem>>, vector<16xi32>,
        tpu.vector_store %arg9[%swap3A_197], %shift_left3A_196 {strides = array<i32>} : memref<128xi32, #tpu.memory_space<vmem>>, vector<16xi32>,
        %add3A_199 = arith.constant 3200 : i32
        %add3A_200 = arith.addi %add3A_199, %add3A_180 : i32
        %add3A_201 = vector.broadcast %add3A_200 : i32 to vector<16xi32>
        %add3A_202 = arith.addi %mul3A_5, %add3A_201 : vector<16xi32>
        %gather3A_203 = tpu.vector_load_idx %arg5[%add3A_202] : memref<25600xi32, #tpu.memory_space<vmem>>[vector<16xi32>], vector<16xi32>,
        %shift_right_arithmetic3A_204 = arith.constant 2 : i32
        %shift_right_arithmetic3A_205 = vector.broadcast %shift_right_arithmetic3A_204 : i32 to vector<16xi32>
        %shift_right_arithmetic3A_206 = arith.shrsi %gather3A_203, %shift_right_arithmetic3A_205 : vector<16xi32>
        %swap3A_207 = arith.constant 16 : index
        %swap3A_208 = tpu.vector_load %arg7[%swap3A_207] {strides = array<i32>} : memref<128xi32, #tpu.memory_space<vmem>>, vector<16xi32>,
        tpu.vector_store %arg7[%swap3A_207], %shift_right_arithmetic3A_206 {strides = array<i32>} : memref<128xi32, #tpu.memory_space<vmem>>, vector<16xi32>,
        %and3A_209 = arith.constant 3 : i32
        %and3A_210 = vector.broadcast %and3A_209 : i32 to vector<16xi32>
        %and3A_211 = arith.andi %gather3A_203, %and3A_210 : vector<16xi32>
        %shift_left3A_212 = arith.constant 5 : i32
        %shift_left3A_213 = vector.broadcast %shift_left3A_212 : i32 to vector<16xi32>
        %shift_left3A_214 = arith.shli %and3A_211, %shift_left3A_213 : vector<16xi32>
        %swap3A_215 = arith.constant 16 : index
        %swap3A_216 = tpu.vector_load %arg9[%swap3A_215] {strides = array<i32>} : memref<128xi32, #tpu.memory_space<vmem>>, vector<16xi32>,
        tpu.vector_store %arg9[%swap3A_215], %shift_left3A_214 {strides = array<i32>} : memref<128xi32, #tpu.memory_space<vmem>>, vector<16xi32>,
        %add3A_217 = arith.constant 6400 : i32
        %add3A_218 = arith.addi %add3A_217, %add3A_180 : i32
        %add3A_219 = vector.broadcast %add3A_218 : i32 to vector<16xi32>
        %add3A_220 = arith.addi %mul3A_5, %add3A_219 : vector<16xi32>
        %gather3A_221 = tpu.vector_load_idx %arg5[%add3A_220] : memref<25600xi32, #tpu.memory_space<vmem>>[vector<16xi32>], vector<16xi32>,
        %shift_right_arithmetic3A_222 = arith.constant 2 : i32
        %shift_right_arithmetic3A_223 = vector.broadcast %shift_right_arithmetic3A_222 : i32 to vector<16xi32>
        %shift_right_arithmetic3A_224 = arith.shrsi %gather3A_221, %shift_right_arithmetic3A_223 : vector<16xi32>
        %swap3A_225 = arith.constant 32 : index
        %swap3A_226 = tpu.vector_load %arg7[%swap3A_225] {strides = array<i32>} : memref<128xi32, #tpu.memory_space<vmem>>, vector<16xi32>,
        tpu.vector_store %arg7[%swap3A_225], %shift_right_arithmetic3A_224 {strides = array<i32>} : memref<128xi32, #tpu.memory_space<vmem>>, vector<16xi32>,
        %and3A_227 = arith.constant 3 : i32
        %and3A_228 = vector.broadcast %and3A_227 : i32 to vector<16xi32>
        %and3A_229 = arith.andi %gather3A_221, %and3A_228 : vector<16xi32>
        %shift_left3A_230 = arith.constant 5 : i32
        %shift_left3A_231 = vector.broadcast %shift_left3A_230 : i32 to vector<16xi32>
        %shift_left3A_232 = arith.shli %and3A_229, %shift_left3A_231 : vector<16xi32>
        %swap3A_233 = arith.constant 32 : index
        %swap3A_234 = tpu.vector_load %arg9[%swap3A_233] {strides = array<i32>} : memref<128xi32, #tpu.memory_space<vmem>>, vector<16xi32>,
        tpu.vector_store %arg9[%swap3A_233], %shift_left3A_232 {strides = array<i32>} : memref<128xi32, #tpu.memory_space<vmem>>, vector<16xi32>,
        %add3A_235 = arith.constant 9600 : i32
        %add3A_236 = arith.addi %add3A_235, %add3A_180 : i32
        %add3A_237 = vector.broadcast %add3A_236 : i32 to vector<16xi32>
        %add3A_238 = arith.addi %mul3A_5, %add3A_237 : vector<16xi32>
        %gather3A_239 = tpu.vector_load_idx %arg5[%add3A_238] : memref<25600xi32, #tpu.memory_space<vmem>>[vector<16xi32>], vector<16xi32>,
        %shift_right_arithmetic3A_240 = arith.constant 2 : i32
        %shift_right_arithmetic3A_241 = vector.broadcast %shift_right_arithmetic3A_240 : i32 to vector<16xi32>
        %shift_right_arithmetic3A_242 = arith.shrsi %gather3A_239, %shift_right_arithmetic3A_241 : vector<16xi32>
        %swap3A_243 = arith.constant 48 : index
        %swap3A_244 = tpu.vector_load %arg7[%swap3A_243] {strides = array<i32>} : memref<128xi32, #tpu.memory_space<vmem>>, vector<16xi32>,
        tpu.vector_store %arg7[%swap3A_243], %shift_right_arithmetic3A_242 {strides = array<i32>} : memref<128xi32, #tpu.memory_space<vmem>>, vector<16xi32>,
        %and3A_245 = arith.constant 3 : i32
        %and3A_246 = vector.broadcast %and3A_245 : i32 to vector<16xi32>
        %and3A_247 = arith.andi %gather3A_239, %and3A_246 : vector<16xi32>
        %shift_left3A_248 = arith.constant 5 : i32
        %shift_left3A_249 = vector.broadcast %shift_left3A_248 : i32 to vector<16xi32>
        %shift_left3A_250 = arith.shli %and3A_247, %shift_left3A_249 : vector<16xi32>
        %swap3A_251 = arith.constant 48 : index
        %swap3A_252 = tpu.vector_load %arg9[%swap3A_251] {strides = array<i32>} : memref<128xi32, #tpu.memory_space<vmem>>, vector<16xi32>,
        tpu.vector_store %arg9[%swap3A_251], %shift_left3A_250 {strides = array<i32>} : memref<128xi32, #tpu.memory_space<vmem>>, vector<16xi32>,
        %add3A_253 = arith.constant 12800 : i32
        %add3A_254 = arith.addi %add3A_253, %add3A_180 : i32
        %add3A_255 = vector.broadcast %add3A_254 : i32 to vector<16xi32>
        %add3A_256 = arith.addi %mul3A_5, %add3A_255 : vector<16xi32>
        %gather3A_257 = tpu.vector_load_idx %arg5[%add3A_256] : memref<25600xi32, #tpu.memory_space<vmem>>[vector<16xi32>], vector<16xi32>,
        %shift_right_arithmetic3A_258 = arith.constant 2 : i32
        %shift_right_arithmetic3A_259 = vector.broadcast %shift_right_arithmetic3A_258 : i32 to vector<16xi32>
        %shift_right_arithmetic3A_260 = arith.shrsi %gather3A_257, %shift_right_arithmetic3A_259 : vector<16xi32>
        %swap3A_261 = arith.constant 64 : index
        %swap3A_262 = tpu.vector_load %arg7[%swap3A_261] {strides = array<i32>} : memref<128xi32, #tpu.memory_space<vmem>>, vector<16xi32>,
        tpu.vector_store %arg7[%swap3A_261], %shift_right_arithmetic3A_260 {strides = array<i32>} : memref<128xi32, #tpu.memory_space<vmem>>, vector<16xi32>,
        %and3A_263 = arith.constant 3 : i32
        %and3A_264 = vector.broadcast %and3A_263 : i32 to vector<16xi32>
        %and3A_265 = arith.andi %gather3A_257, %and3A_264 : vector<16xi32>
        %shift_left3A_266 = arith.constant 5 : i32
        %shift_left3A_267 = vector.broadcast %shift_left3A_266 : i32 to vector<16xi32>
        %shift_left3A_268 = arith.shli %and3A_265, %shift_left3A_267 : vector<16xi32>
        %swap3A_269 = arith.constant 64 : index
        %swap3A_270 = tpu.vector_load %arg9[%swap3A_269] {strides = array<i32>} : memref<128xi32, #tpu.memory_space<vmem>>, vector<16xi32>,
        tpu.vector_store %arg9[%swap3A_269], %shift_left3A_268 {strides = array<i32>} : memref<128xi32, #tpu.memory_space<vmem>>, vector<16xi32>,
        %add3A_271 = arith.constant 16000 : i32
        %add3A_272 = arith.addi %add3A_271, %add3A_180 : i32
        %add3A_273 = vector.broadcast %add3A_272 : i32 to vector<16xi32>
        %add3A_274 = arith.addi %mul3A_5, %add3A_273 : vector<16xi32>
        %gather3A_275 = tpu.vector_load_idx %arg5[%add3A_274] : memref<25600xi32, #tpu.memory_space<vmem>>[vector<16xi32>], vector<16xi32>,
        %shift_right_arithmetic3A_276 = arith.constant 2 : i32
        %shift_right_arithmetic3A_277 = vector.broadcast %shift_right_arithmetic3A_276 : i32 to vector<16xi32>
        %shift_right_arithmetic3A_278 = arith.shrsi %gather3A_275, %shift_right_arithmetic3A_277 : vector<16xi32>
        %swap3A_279 = arith.constant 80 : index
        %swap3A_280 = tpu.vector_load %arg7[%swap3A_279] {strides = array<i32>} : memref<128xi32, #tpu.memory_space<vmem>>, vector<16xi32>,
        tpu.vector_store %arg7[%swap3A_279], %shift_right_arithmetic3A_278 {strides = array<i32>} : memref<128xi32, #tpu.memory_space<vmem>>, vector<16xi32>,
        %and3A_281 = arith.constant 3 : i32
        %and3A_282 = vector.broadcast %and3A_281 : i32 to vector<16xi32>
        %and3A_283 = arith.andi %gather3A_275, %and3A_282 : vector<16xi32>
        %shift_left3A_284 = arith.constant 5 : i32
        %shift_left3A_285 = vector.broadcast %shift_left3A_284 : i32 to vector<16xi32>
        %shift_left3A_286 = arith.shli %and3A_283, %shift_left3A_285 : vector<16xi32>
        %swap3A_287 = arith.constant 80 : index
        %swap3A_288 = tpu.vector_load %arg9[%swap3A_287] {strides = array<i32>} : memref<128xi32, #tpu.memory_space<vmem>>, vector<16xi32>,
        tpu.vector_store %arg9[%swap3A_287], %shift_left3A_286 {strides = array<i32>} : memref<128xi32, #tpu.memory_space<vmem>>, vector<16xi32>,
        %add3A_289 = arith.constant 19200 : i32
        %add3A_290 = arith.addi %add3A_289, %add3A_180 : i32
        %add3A_291 = vector.broadcast %add3A_290 : i32 to vector<16xi32>
        %add3A_292 = arith.addi %mul3A_5, %add3A_291 : vector<16xi32>
        %gather3A_293 = tpu.vector_load_idx %arg5[%add3A_292] : memref<25600xi32, #tpu.memory_space<vmem>>[vector<16xi32>], vector<16xi32>,
        %shift_right_arithmetic3A_294 = arith.constant 2 : i32
        %shift_right_arithmetic3A_295 = vector.broadcast %shift_right_arithmetic3A_294 : i32 to vector<16xi32>
        %shift_right_arithmetic3A_296 = arith.shrsi %gather3A_293, %shift_right_arithmetic3A_295 : vector<16xi32>
        %swap3A_297 = arith.constant 96 : index
        %swap3A_298 = tpu.vector_load %arg7[%swap3A_297] {strides = array<i32>} : memref<128xi32, #tpu.memory_space<vmem>>, vector<16xi32>,
        tpu.vector_store %arg7[%swap3A_297], %shift_right_arithmetic3A_296 {strides = array<i32>} : memref<128xi32, #tpu.memory_space<vmem>>, vector<16xi32>,
        %and3A_299 = arith.constant 3 : i32
        %and3A_300 = vector.broadcast %and3A_299 : i32 to vector<16xi32>
        %and3A_301 = arith.andi %gather3A_293, %and3A_300 : vector<16xi32>
        %shift_left3A_302 = arith.constant 5 : i32
        %shift_left3A_303 = vector.broadcast %shift_left3A_302 : i32 to vector<16xi32>
        %shift_left3A_304 = arith.shli %and3A_301, %shift_left3A_303 : vector<16xi32>
        %swap3A_305 = arith.constant 96 : index
        %swap3A_306 = tpu.vector_load %arg9[%swap3A_305] {strides = array<i32>} : memref<128xi32, #tpu.memory_space<vmem>>, vector<16xi32>,
        tpu.vector_store %arg9[%swap3A_305], %shift_left3A_304 {strides = array<i32>} : memref<128xi32, #tpu.memory_space<vmem>>, vector<16xi32>,
        %add3A_307 = arith.constant 22400 : i32
        %add3A_308 = arith.addi %add3A_307, %add3A_180 : i32
        %add3A_309 = vector.broadcast %add3A_308 : i32 to vector<16xi32>
        %add3A_310 = arith.addi %mul3A_5, %add3A_309 : vector<16xi32>
        %gather3A_311 = tpu.vector_load_idx %arg5[%add3A_310] : memref<25600xi32, #tpu.memory_space<vmem>>[vector<16xi32>], vector<16xi32>,
        %shift_right_arithmetic3A_312 = arith.constant 2 : i32
        %shift_right_arithmetic3A_313 = vector.broadcast %shift_right_arithmetic3A_312 : i32 to vector<16xi32>
        %shift_right_arithmetic3A_314 = arith.shrsi %gather3A_311, %shift_right_arithmetic3A_313 : vector<16xi32>
        %swap3A_315 = arith.constant 112 : index
        %swap3A_316 = tpu.vector_load %arg7[%swap3A_315] {strides = array<i32>} : memref<128xi32, #tpu.memory_space<vmem>>, vector<16xi32>,
        tpu.vector_store %arg7[%swap3A_315], %shift_right_arithmetic3A_314 {strides = array<i32>} : memref<128xi32, #tpu.memory_space<vmem>>, vector<16xi32>,
        %and3A_317 = arith.constant 3 : i32
        %and3A_318 = vector.broadcast %and3A_317 : i32 to vector<16xi32>
        %and3A_319 = arith.andi %gather3A_311, %and3A_318 : vector<16xi32>
        %shift_left3A_320 = arith.constant 5 : i32
        %shift_left3A_321 = vector.broadcast %shift_left3A_320 : i32 to vector<16xi32>
        %shift_left3A_322 = arith.shli %and3A_319, %shift_left3A_321 : vector<16xi32>
        %swap3A_323 = arith.constant 112 : index
        %swap3A_324 = tpu.vector_load %arg9[%swap3A_323] {strides = array<i32>} : memref<128xi32, #tpu.memory_space<vmem>>, vector<16xi32>,
        tpu.vector_store %arg9[%swap3A_323], %shift_left3A_322 {strides = array<i32>} : memref<128xi32, #tpu.memory_space<vmem>>, vector<16xi32>,
        %dma_start3A_325 = arith.constant 1 : i32
        %dma_start3A_326 = arith.constant 0 : i32
        %dma_start3A_327 = arith.constant 0 : i32
        %dma_start3A_328 = tpu.memref_slice %arg3[%dma_start3A_326, %dma_start3A_327] : memref<250000x128xf32, #tpu.memory_space<hbm>> -> memref<250000x128xf32, #tpu.memory_space<hbm>>
        %dma_start3A_329 = tpu.memref_slice %arg14[%dma_start3A_325] : memref<2x!tpu.dma_semaphore, #tpu.memory_space<semaphore_mem>> -> memref<1x!tpu.dma_semaphore, #tpu.memory_space<semaphore_mem>>
        %dma_start3A_330 = tpu.memref_squeeze %dma_start3A_329 : memref<1x!tpu.dma_semaphore, #tpu.memory_space<semaphore_mem>> -> memref<!tpu.dma_semaphore, #tpu.memory_space<semaphore_mem>>
        tpu.enqueue_indirect_dma source(%dma_start3A_328 : memref<250000x128xf32, #tpu.memory_space<hbm>>) target(%arg11 : memref<128x128xf32, #tpu.memory_space<vmem>>) offsets(%arg7 : memref<128xi32, #tpu.memory_space<vmem>>) semaphore(%dma_start3A_330 : memref<!tpu.dma_semaphore, #tpu.memory_space<semaphore_mem>>)
        %dma_wait3A_331 = arith.constant 0 : i32
        %dma_wait3A_332 = arith.constant 0 : i32
        %dma_wait3A_333 = arith.constant 0 : i32
        %dma_wait3A_334 = tpu.memref_slice %arg3[%dma_wait3A_332, %dma_wait3A_333] : memref<250000x128xf32, #tpu.memory_space<hbm>> -> memref<250000x128xf32, #tpu.memory_space<hbm>>
        %dma_wait3A_335 = tpu.memref_slice %arg14[%dma_wait3A_331] : memref<2x!tpu.dma_semaphore, #tpu.memory_space<semaphore_mem>> -> memref<1x!tpu.dma_semaphore, #tpu.memory_space<semaphore_mem>>
        %dma_wait3A_336 = tpu.memref_squeeze %dma_wait3A_335 : memref<1x!tpu.dma_semaphore, #tpu.memory_space<semaphore_mem>> -> memref<!tpu.dma_semaphore, #tpu.memory_space<semaphore_mem>>
        tpu.wait_indirect_dma semaphore(%dma_wait3A_336 : memref<!tpu.dma_semaphore, #tpu.memory_space<semaphore_mem>>) src(%dma_wait3A_334 : memref<250000x128xf32, #tpu.memory_space<hbm>>) dst(%arg10 : memref<128x128xf32, #tpu.memory_space<vmem>>)
        %gt3A = arith.constant 0 : i32
        %gt3A_337 = arith.cmpi sgt, %scan3A_176, %gt3A : i32
        %convert_element_type3A = arith.extui %gt3A_337 : i1 to i32
        %cond3A = arith.constant 0 : i32
        %cond3A_338 = arith.cmpi ne, %convert_element_type3A, %cond3A : i32
        scf.if %cond3A_338 {
          %dma_wait3A_379 = arith.constant 0 : i32
          %dma_wait3A_380 = arith.constant 0 : i32
          %dma_wait3A_381 = tpu.memref_slice %arg4[%mul3A_178, %dma_wait3A_380, %add3A_13] : memref<200x32x16384xf32, #tpu.memory_space<hbm>> -> memref<1x32x128xf32, #tpu.memory_space<hbm>>
          %dma_wait3A_382 = tpu.memref_squeeze %dma_wait3A_381 : memref<1x32x128xf32, #tpu.memory_space<hbm>> -> memref<32x128xf32, #tpu.memory_space<hbm>>
          %dma_wait3A_383 = tpu.memref_slice %arg15[%dma_wait3A_379] : memref<2x!tpu.dma_semaphore, #tpu.memory_space<semaphore_mem>> -> memref<1x!tpu.dma_semaphore, #tpu.memory_space<semaphore_mem>>
          %dma_wait3A_384 = tpu.memref_squeeze %dma_wait3A_383 : memref<1x!tpu.dma_semaphore, #tpu.memory_space<semaphore_mem>> -> memref<!tpu.dma_semaphore, #tpu.memory_space<semaphore_mem>>
          %dma_wait3A_385 = arith.constant 0 : i32
          %dma_wait3A_386 = tpu.memref_slice %arg4[%mul3A_178, %dma_wait3A_385, %add3A_13] : memref<200x32x16384xf32, #tpu.memory_space<hbm>> -> memref<1x32x128xf32, #tpu.memory_space<hbm>>
          %dma_wait3A_387 = tpu.memref_squeeze %dma_wait3A_386 : memref<1x32x128xf32, #tpu.memory_space<hbm>> -> memref<32x128xf32, #tpu.memory_space<hbm>>
          tpu.wait_dma2 semaphore(%dma_wait3A_384 : memref<!tpu.dma_semaphore, #tpu.memory_space<semaphore_mem>>) src(%arg12 : memref<32x128xf32, #tpu.memory_space<vmem>>) dst(%dma_wait3A_387 : memref<32x128xf32, #tpu.memory_space<hbm>>)
        } else {
        }
        %parallel_loop3A = arith.constant 0 : i32
        %parallel_loop3A_339 = arith.constant 256 : i32
        %parallel_loop3A_340 = arith.constant 1 : i32
        scf.for %parallel_loop3A_379 = %parallel_loop3A to %parallel_loop3A_339 step %parallel_loop3A_340  : i32 {
          %parallel_loop3A_380 = arith.constant 31 : i32
          %parallel_loop3A_381 = arith.andi %parallel_loop3A_379, %parallel_loop3A_380 : i32
          %parallel_loop3A_382 = arith.constant 5 : i32
          %parallel_loop3A_383 = arith.shrsi %parallel_loop3A_379, %parallel_loop3A_382 : i32
          %parallel_loop3A_384 = arith.constant 16 : i32
          %parallel_loop3A_385 = arith.muli %parallel_loop3A_383, %parallel_loop3A_384 : i32
          %parallel_loop3A_386 = vector.broadcast %parallel_loop3A_385 : i32 to vector<16xi32>
          %parallel_loop3A_387 = arith.addi %iota3A, %parallel_loop3A_386 : vector<16xi32>
          %parallel_loop3A_388 = arith.constant 16 : i32
          %parallel_loop3A_389 = arith.muli %parallel_loop3A_383, %parallel_loop3A_388 : i32
          %parallel_loop3A_390 = arith.index_cast %parallel_loop3A_389 : i32 to index
          %parallel_loop3A_391 = tpu.vector_load %arg8[%parallel_loop3A_390] {strides = array<i32>} : memref<128xi32, #tpu.memory_space<vmem>>, vector<16xi32>,
          %parallel_loop3A_392 = vector.broadcast %parallel_loop3A_381 : i32 to vector<16xi32>
          %parallel_loop3A_393 = arith.addi %parallel_loop3A_391, %parallel_loop3A_392 : vector<16xi32>
          %parallel_loop3A_394 = tpu.vector_load_idx %arg10[%parallel_loop3A_387, %parallel_loop3A_393] : memref<128x128xf32, #tpu.memory_space<vmem>>[vector<16xi32>, vector<16xi32>], vector<16xf32>,
          %parallel_loop3A_395 = arith.constant 16 : i32
          %parallel_loop3A_396 = arith.muli %parallel_loop3A_383, %parallel_loop3A_395 : i32
          %parallel_loop3A_397 = arith.index_cast %parallel_loop3A_381 : i32 to index
          %parallel_loop3A_398 = arith.index_cast %parallel_loop3A_396 : i32 to index
          %parallel_loop3A_399 = tpu.vector_load %arg12[%parallel_loop3A_397, %parallel_loop3A_398] {strides = array<i32>} : memref<32x128xf32, #tpu.memory_space<vmem>>, vector<16xf32>,
          tpu.vector_store %arg12[%parallel_loop3A_397, %parallel_loop3A_398], %parallel_loop3A_394 {strides = array<i32>} : memref<32x128xf32, #tpu.memory_space<vmem>>, vector<16xf32>,
        } {sc.loop_unroll_factor = 16 : i64, sc.parallel_access}
        %dma_start3A_341 = arith.constant 0 : i32
        %dma_start3A_342 = arith.constant 0 : i32
        %dma_start3A_343 = tpu.memref_slice %arg4[%mul3A_178, %dma_start3A_342, %add3A_13] : memref<200x32x16384xf32, #tpu.memory_space<hbm>> -> memref<1x32x128xf32, #tpu.memory_space<hbm>>
        %dma_start3A_344 = tpu.memref_squeeze %dma_start3A_343 : memref<1x32x128xf32, #tpu.memory_space<hbm>> -> memref<32x128xf32, #tpu.memory_space<hbm>>
        %dma_start3A_345 = tpu.memref_slice %arg15[%dma_start3A_341] : memref<2x!tpu.dma_semaphore, #tpu.memory_space<semaphore_mem>> -> memref<1x!tpu.dma_semaphore, #tpu.memory_space<semaphore_mem>>
        %dma_start3A_346 = tpu.memref_squeeze %dma_start3A_345 : memref<1x!tpu.dma_semaphore, #tpu.memory_space<semaphore_mem>> -> memref<!tpu.dma_semaphore, #tpu.memory_space<semaphore_mem>>
        %dma_start3A_347 = arith.constant 0 : i32
        %dma_start3A_348 = tpu.memref_slice %arg4[%mul3A_178, %dma_start3A_347, %add3A_13] : memref<200x32x16384xf32, #tpu.memory_space<hbm>> -> memref<1x32x128xf32, #tpu.memory_space<hbm>>
        %dma_start3A_349 = tpu.memref_squeeze %dma_start3A_348 : memref<1x32x128xf32, #tpu.memory_space<hbm>> -> memref<32x128xf32, #tpu.memory_space<hbm>>
        tpu.enqueue_dma source(%arg12 : memref<32x128xf32, #tpu.memory_space<vmem>>) target(%dma_start3A_349 : memref<32x128xf32, #tpu.memory_space<hbm>>) target_semaphore(%dma_start3A_346 : memref<!tpu.dma_semaphore, #tpu.memory_space<semaphore_mem>>)
        %lt3A = arith.constant 99 : i32
        %lt3A_350 = arith.cmpi slt, %scan3A_176, %lt3A : i32
        %convert_element_type3A_351 = arith.extui %lt3A_350 : i1 to i32
        %cond3A_352 = arith.constant 0 : i32
        %cond3A_353 = arith.cmpi ne, %convert_element_type3A_351, %cond3A_352 : i32
        scf.if %cond3A_353 {
          %add3A_379 = arith.constant 2 : i32
          %add3A_380 = arith.addi %mul3A_178, %add3A_379 : i32
          %add3A_381 = arith.constant 0 : i32
          %add3A_382 = arith.addi %add3A_381, %add3A_380 : i32
          %add3A_383 = vector.broadcast %add3A_382 : i32 to vector<16xi32>
          %add3A_384 = arith.addi %mul3A_5, %add3A_383 : vector<16xi32>
          %gather3A_385 = tpu.vector_load_idx %arg5[%add3A_384] : memref<25600xi32, #tpu.memory_space<vmem>>[vector<16xi32>], vector<16xi32>,
          %shift_right_arithmetic3A_386 = arith.constant 2 : i32
          %shift_right_arithmetic3A_387 = vector.broadcast %shift_right_arithmetic3A_386 : i32 to vector<16xi32>
          %shift_right_arithmetic3A_388 = arith.shrsi %gather3A_385, %shift_right_arithmetic3A_387 : vector<16xi32>
          %swap3A_389 = arith.constant 0 : index
          %swap3A_390 = tpu.vector_load %arg6[%swap3A_389] {strides = array<i32>} : memref<128xi32, #tpu.memory_space<vmem>>, vector<16xi32>,
          tpu.vector_store %arg6[%swap3A_389], %shift_right_arithmetic3A_388 {strides = array<i32>} : memref<128xi32, #tpu.memory_space<vmem>>, vector<16xi32>,
          %and3A_391 = arith.constant 3 : i32
          %and3A_392 = vector.broadcast %and3A_391 : i32 to vector<16xi32>
          %and3A_393 = arith.andi %gather3A_385, %and3A_392 : vector<16xi32>
          %shift_left3A_394 = arith.constant 5 : i32
          %shift_left3A_395 = vector.broadcast %shift_left3A_394 : i32 to vector<16xi32>
          %shift_left3A_396 = arith.shli %and3A_393, %shift_left3A_395 : vector<16xi32>
          %swap3A_397 = arith.constant 0 : index
          %swap3A_398 = tpu.vector_load %arg8[%swap3A_397] {strides = array<i32>} : memref<128xi32, #tpu.memory_space<vmem>>, vector<16xi32>,
          tpu.vector_store %arg8[%swap3A_397], %shift_left3A_396 {strides = array<i32>} : memref<128xi32, #tpu.memory_space<vmem>>, vector<16xi32>,
          %add3A_399 = arith.constant 3200 : i32
          %add3A_400 = arith.addi %add3A_399, %add3A_380 : i32
          %add3A_401 = vector.broadcast %add3A_400 : i32 to vector<16xi32>
          %add3A_402 = arith.addi %mul3A_5, %add3A_401 : vector<16xi32>
          %gather3A_403 = tpu.vector_load_idx %arg5[%add3A_402] : memref<25600xi32, #tpu.memory_space<vmem>>[vector<16xi32>], vector<16xi32>,
          %shift_right_arithmetic3A_404 = arith.constant 2 : i32
          %shift_right_arithmetic3A_405 = vector.broadcast %shift_right_arithmetic3A_404 : i32 to vector<16xi32>
          %shift_right_arithmetic3A_406 = arith.shrsi %gather3A_403, %shift_right_arithmetic3A_405 : vector<16xi32>
          %swap3A_407 = arith.constant 16 : index
          %swap3A_408 = tpu.vector_load %arg6[%swap3A_407] {strides = array<i32>} : memref<128xi32, #tpu.memory_space<vmem>>, vector<16xi32>,
          tpu.vector_store %arg6[%swap3A_407], %shift_right_arithmetic3A_406 {strides = array<i32>} : memref<128xi32, #tpu.memory_space<vmem>>, vector<16xi32>,
          %and3A_409 = arith.constant 3 : i32
          %and3A_410 = vector.broadcast %and3A_409 : i32 to vector<16xi32>
          %and3A_411 = arith.andi %gather3A_403, %and3A_410 : vector<16xi32>
          %shift_left3A_412 = arith.constant 5 : i32
          %shift_left3A_413 = vector.broadcast %shift_left3A_412 : i32 to vector<16xi32>
          %shift_left3A_414 = arith.shli %and3A_411, %shift_left3A_413 : vector<16xi32>
          %swap3A_415 = arith.constant 16 : index
          %swap3A_416 = tpu.vector_load %arg8[%swap3A_415] {strides = array<i32>} : memref<128xi32, #tpu.memory_space<vmem>>, vector<16xi32>,
          tpu.vector_store %arg8[%swap3A_415], %shift_left3A_414 {strides = array<i32>} : memref<128xi32, #tpu.memory_space<vmem>>, vector<16xi32>,
          %add3A_417 = arith.constant 6400 : i32
          %add3A_418 = arith.addi %add3A_417, %add3A_380 : i32
          %add3A_419 = vector.broadcast %add3A_418 : i32 to vector<16xi32>
          %add3A_420 = arith.addi %mul3A_5, %add3A_419 : vector<16xi32>
          %gather3A_421 = tpu.vector_load_idx %arg5[%add3A_420] : memref<25600xi32, #tpu.memory_space<vmem>>[vector<16xi32>], vector<16xi32>,
          %shift_right_arithmetic3A_422 = arith.constant 2 : i32
          %shift_right_arithmetic3A_423 = vector.broadcast %shift_right_arithmetic3A_422 : i32 to vector<16xi32>
          %shift_right_arithmetic3A_424 = arith.shrsi %gather3A_421, %shift_right_arithmetic3A_423 : vector<16xi32>
          %swap3A_425 = arith.constant 32 : index
          %swap3A_426 = tpu.vector_load %arg6[%swap3A_425] {strides = array<i32>} : memref<128xi32, #tpu.memory_space<vmem>>, vector<16xi32>,
          tpu.vector_store %arg6[%swap3A_425], %shift_right_arithmetic3A_424 {strides = array<i32>} : memref<128xi32, #tpu.memory_space<vmem>>, vector<16xi32>,
          %and3A_427 = arith.constant 3 : i32
          %and3A_428 = vector.broadcast %and3A_427 : i32 to vector<16xi32>
          %and3A_429 = arith.andi %gather3A_421, %and3A_428 : vector<16xi32>
          %shift_left3A_430 = arith.constant 5 : i32
          %shift_left3A_431 = vector.broadcast %shift_left3A_430 : i32 to vector<16xi32>
          %shift_left3A_432 = arith.shli %and3A_429, %shift_left3A_431 : vector<16xi32>
          %swap3A_433 = arith.constant 32 : index
          %swap3A_434 = tpu.vector_load %arg8[%swap3A_433] {strides = array<i32>} : memref<128xi32, #tpu.memory_space<vmem>>, vector<16xi32>,
          tpu.vector_store %arg8[%swap3A_433], %shift_left3A_432 {strides = array<i32>} : memref<128xi32, #tpu.memory_space<vmem>>, vector<16xi32>,
          %add3A_435 = arith.constant 9600 : i32
          %add3A_436 = arith.addi %add3A_435, %add3A_380 : i32
          %add3A_437 = vector.broadcast %add3A_436 : i32 to vector<16xi32>
          %add3A_438 = arith.addi %mul3A_5, %add3A_437 : vector<16xi32>
          %gather3A_439 = tpu.vector_load_idx %arg5[%add3A_438] : memref<25600xi32, #tpu.memory_space<vmem>>[vector<16xi32>], vector<16xi32>,
          %shift_right_arithmetic3A_440 = arith.constant 2 : i32
          %shift_right_arithmetic3A_441 = vector.broadcast %shift_right_arithmetic3A_440 : i32 to vector<16xi32>
          %shift_right_arithmetic3A_442 = arith.shrsi %gather3A_439, %shift_right_arithmetic3A_441 : vector<16xi32>
          %swap3A_443 = arith.constant 48 : index
          %swap3A_444 = tpu.vector_load %arg6[%swap3A_443] {strides = array<i32>} : memref<128xi32, #tpu.memory_space<vmem>>, vector<16xi32>,
          tpu.vector_store %arg6[%swap3A_443], %shift_right_arithmetic3A_442 {strides = array<i32>} : memref<128xi32, #tpu.memory_space<vmem>>, vector<16xi32>,
          %and3A_445 = arith.constant 3 : i32
          %and3A_446 = vector.broadcast %and3A_445 : i32 to vector<16xi32>
          %and3A_447 = arith.andi %gather3A_439, %and3A_446 : vector<16xi32>
          %shift_left3A_448 = arith.constant 5 : i32
          %shift_left3A_449 = vector.broadcast %shift_left3A_448 : i32 to vector<16xi32>
          %shift_left3A_450 = arith.shli %and3A_447, %shift_left3A_449 : vector<16xi32>
          %swap3A_451 = arith.constant 48 : index
          %swap3A_452 = tpu.vector_load %arg8[%swap3A_451] {strides = array<i32>} : memref<128xi32, #tpu.memory_space<vmem>>, vector<16xi32>,
          tpu.vector_store %arg8[%swap3A_451], %shift_left3A_450 {strides = array<i32>} : memref<128xi32, #tpu.memory_space<vmem>>, vector<16xi32>,
          %add3A_453 = arith.constant 12800 : i32
          %add3A_454 = arith.addi %add3A_453, %add3A_380 : i32
          %add3A_455 = vector.broadcast %add3A_454 : i32 to vector<16xi32>
          %add3A_456 = arith.addi %mul3A_5, %add3A_455 : vector<16xi32>
          %gather3A_457 = tpu.vector_load_idx %arg5[%add3A_456] : memref<25600xi32, #tpu.memory_space<vmem>>[vector<16xi32>], vector<16xi32>,
          %shift_right_arithmetic3A_458 = arith.constant 2 : i32
          %shift_right_arithmetic3A_459 = vector.broadcast %shift_right_arithmetic3A_458 : i32 to vector<16xi32>
          %shift_right_arithmetic3A_460 = arith.shrsi %gather3A_457, %shift_right_arithmetic3A_459 : vector<16xi32>
          %swap3A_461 = arith.constant 64 : index
          %swap3A_462 = tpu.vector_load %arg6[%swap3A_461] {strides = array<i32>} : memref<128xi32, #tpu.memory_space<vmem>>, vector<16xi32>,
          tpu.vector_store %arg6[%swap3A_461], %shift_right_arithmetic3A_460 {strides = array<i32>} : memref<128xi32, #tpu.memory_space<vmem>>, vector<16xi32>,
          %and3A_463 = arith.constant 3 : i32
          %and3A_464 = vector.broadcast %and3A_463 : i32 to vector<16xi32>
          %and3A_465 = arith.andi %gather3A_457, %and3A_464 : vector<16xi32>
          %shift_left3A_466 = arith.constant 5 : i32
          %shift_left3A_467 = vector.broadcast %shift_left3A_466 : i32 to vector<16xi32>
          %shift_left3A_468 = arith.shli %and3A_465, %shift_left3A_467 : vector<16xi32>
          %swap3A_469 = arith.constant 64 : index
          %swap3A_470 = tpu.vector_load %arg8[%swap3A_469] {strides = array<i32>} : memref<128xi32, #tpu.memory_space<vmem>>, vector<16xi32>,
          tpu.vector_store %arg8[%swap3A_469], %shift_left3A_468 {strides = array<i32>} : memref<128xi32, #tpu.memory_space<vmem>>, vector<16xi32>,
          %add3A_471 = arith.constant 16000 : i32
          %add3A_472 = arith.addi %add3A_471, %add3A_380 : i32
          %add3A_473 = vector.broadcast %add3A_472 : i32 to vector<16xi32>
          %add3A_474 = arith.addi %mul3A_5, %add3A_473 : vector<16xi32>
          %gather3A_475 = tpu.vector_load_idx %arg5[%add3A_474] : memref<25600xi32, #tpu.memory_space<vmem>>[vector<16xi32>], vector<16xi32>,
          %shift_right_arithmetic3A_476 = arith.constant 2 : i32
          %shift_right_arithmetic3A_477 = vector.broadcast %shift_right_arithmetic3A_476 : i32 to vector<16xi32>
          %shift_right_arithmetic3A_478 = arith.shrsi %gather3A_475, %shift_right_arithmetic3A_477 : vector<16xi32>
          %swap3A_479 = arith.constant 80 : index
          %swap3A_480 = tpu.vector_load %arg6[%swap3A_479] {strides = array<i32>} : memref<128xi32, #tpu.memory_space<vmem>>, vector<16xi32>,
          tpu.vector_store %arg6[%swap3A_479], %shift_right_arithmetic3A_478 {strides = array<i32>} : memref<128xi32, #tpu.memory_space<vmem>>, vector<16xi32>,
          %and3A_481 = arith.constant 3 : i32
          %and3A_482 = vector.broadcast %and3A_481 : i32 to vector<16xi32>
          %and3A_483 = arith.andi %gather3A_475, %and3A_482 : vector<16xi32>
          %shift_left3A_484 = arith.constant 5 : i32
          %shift_left3A_485 = vector.broadcast %shift_left3A_484 : i32 to vector<16xi32>
          %shift_left3A_486 = arith.shli %and3A_483, %shift_left3A_485 : vector<16xi32>
          %swap3A_487 = arith.constant 80 : index
          %swap3A_488 = tpu.vector_load %arg8[%swap3A_487] {strides = array<i32>} : memref<128xi32, #tpu.memory_space<vmem>>, vector<16xi32>,
          tpu.vector_store %arg8[%swap3A_487], %shift_left3A_486 {strides = array<i32>} : memref<128xi32, #tpu.memory_space<vmem>>, vector<16xi32>,
          %add3A_489 = arith.constant 19200 : i32
          %add3A_490 = arith.addi %add3A_489, %add3A_380 : i32
          %add3A_491 = vector.broadcast %add3A_490 : i32 to vector<16xi32>
          %add3A_492 = arith.addi %mul3A_5, %add3A_491 : vector<16xi32>
          %gather3A_493 = tpu.vector_load_idx %arg5[%add3A_492] : memref<25600xi32, #tpu.memory_space<vmem>>[vector<16xi32>], vector<16xi32>,
          %shift_right_arithmetic3A_494 = arith.constant 2 : i32
          %shift_right_arithmetic3A_495 = vector.broadcast %shift_right_arithmetic3A_494 : i32 to vector<16xi32>
          %shift_right_arithmetic3A_496 = arith.shrsi %gather3A_493, %shift_right_arithmetic3A_495 : vector<16xi32>
          %swap3A_497 = arith.constant 96 : index
          %swap3A_498 = tpu.vector_load %arg6[%swap3A_497] {strides = array<i32>} : memref<128xi32, #tpu.memory_space<vmem>>, vector<16xi32>,
          tpu.vector_store %arg6[%swap3A_497], %shift_right_arithmetic3A_496 {strides = array<i32>} : memref<128xi32, #tpu.memory_space<vmem>>, vector<16xi32>,
          %and3A_499 = arith.constant 3 : i32
          %and3A_500 = vector.broadcast %and3A_499 : i32 to vector<16xi32>
          %and3A_501 = arith.andi %gather3A_493, %and3A_500 : vector<16xi32>
          %shift_left3A_502 = arith.constant 5 : i32
          %shift_left3A_503 = vector.broadcast %shift_left3A_502 : i32 to vector<16xi32>
          %shift_left3A_504 = arith.shli %and3A_501, %shift_left3A_503 : vector<16xi32>
          %swap3A_505 = arith.constant 96 : index
          %swap3A_506 = tpu.vector_load %arg8[%swap3A_505] {strides = array<i32>} : memref<128xi32, #tpu.memory_space<vmem>>, vector<16xi32>,
          tpu.vector_store %arg8[%swap3A_505], %shift_left3A_504 {strides = array<i32>} : memref<128xi32, #tpu.memory_space<vmem>>, vector<16xi32>,
          %add3A_507 = arith.constant 22400 : i32
          %add3A_508 = arith.addi %add3A_507, %add3A_380 : i32
          %add3A_509 = vector.broadcast %add3A_508 : i32 to vector<16xi32>
          %add3A_510 = arith.addi %mul3A_5, %add3A_509 : vector<16xi32>
          %gather3A_511 = tpu.vector_load_idx %arg5[%add3A_510] : memref<25600xi32, #tpu.memory_space<vmem>>[vector<16xi32>], vector<16xi32>,
          %shift_right_arithmetic3A_512 = arith.constant 2 : i32
          %shift_right_arithmetic3A_513 = vector.broadcast %shift_right_arithmetic3A_512 : i32 to vector<16xi32>
          %shift_right_arithmetic3A_514 = arith.shrsi %gather3A_511, %shift_right_arithmetic3A_513 : vector<16xi32>
          %swap3A_515 = arith.constant 112 : index
          %swap3A_516 = tpu.vector_load %arg6[%swap3A_515] {strides = array<i32>} : memref<128xi32, #tpu.memory_space<vmem>>, vector<16xi32>,
          tpu.vector_store %arg6[%swap3A_515], %shift_right_arithmetic3A_514 {strides = array<i32>} : memref<128xi32, #tpu.memory_space<vmem>>, vector<16xi32>,
          %and3A_517 = arith.constant 3 : i32
          %and3A_518 = vector.broadcast %and3A_517 : i32 to vector<16xi32>
          %and3A_519 = arith.andi %gather3A_511, %and3A_518 : vector<16xi32>
          %shift_left3A_520 = arith.constant 5 : i32
          %shift_left3A_521 = vector.broadcast %shift_left3A_520 : i32 to vector<16xi32>
          %shift_left3A_522 = arith.shli %and3A_519, %shift_left3A_521 : vector<16xi32>
          %swap3A_523 = arith.constant 112 : index
          %swap3A_524 = tpu.vector_load %arg8[%swap3A_523] {strides = array<i32>} : memref<128xi32, #tpu.memory_space<vmem>>, vector<16xi32>,
          tpu.vector_store %arg8[%swap3A_523], %shift_left3A_522 {strides = array<i32>} : memref<128xi32, #tpu.memory_space<vmem>>, vector<16xi32>,
          %dma_start3A_525 = arith.constant 0 : i32
          %dma_start3A_526 = arith.constant 0 : i32
          %dma_start3A_527 = arith.constant 0 : i32
          %dma_start3A_528 = tpu.memref_slice %arg3[%dma_start3A_526, %dma_start3A_527] : memref<250000x128xf32, #tpu.memory_space<hbm>> -> memref<250000x128xf32, #tpu.memory_space<hbm>>
          %dma_start3A_529 = tpu.memref_slice %arg14[%dma_start3A_525] : memref<2x!tpu.dma_semaphore, #tpu.memory_space<semaphore_mem>> -> memref<1x!tpu.dma_semaphore, #tpu.memory_space<semaphore_mem>>
          %dma_start3A_530 = tpu.memref_squeeze %dma_start3A_529 : memref<1x!tpu.dma_semaphore, #tpu.memory_space<semaphore_mem>> -> memref<!tpu.dma_semaphore, #tpu.memory_space<semaphore_mem>>
          tpu.enqueue_indirect_dma source(%dma_start3A_528 : memref<250000x128xf32, #tpu.memory_space<hbm>>) target(%arg10 : memref<128x128xf32, #tpu.memory_space<vmem>>) offsets(%arg6 : memref<128xi32, #tpu.memory_space<vmem>>) semaphore(%dma_start3A_530 : memref<!tpu.dma_semaphore, #tpu.memory_space<semaphore_mem>>)
        } else {
        }
        %dma_wait3A_354 = arith.constant 1 : i32
        %dma_wait3A_355 = arith.constant 0 : i32
        %dma_wait3A_356 = arith.constant 0 : i32
        %dma_wait3A_357 = tpu.memref_slice %arg3[%dma_wait3A_355, %dma_wait3A_356] : memref<250000x128xf32, #tpu.memory_space<hbm>> -> memref<250000x128xf32, #tpu.memory_space<hbm>>
        %dma_wait3A_358 = tpu.memref_slice %arg14[%dma_wait3A_354] : memref<2x!tpu.dma_semaphore, #tpu.memory_space<semaphore_mem>> -> memref<1x!tpu.dma_semaphore, #tpu.memory_space<semaphore_mem>>
        %dma_wait3A_359 = tpu.memref_squeeze %dma_wait3A_358 : memref<1x!tpu.dma_semaphore, #tpu.memory_space<semaphore_mem>> -> memref<!tpu.dma_semaphore, #tpu.memory_space<semaphore_mem>>
        tpu.wait_indirect_dma semaphore(%dma_wait3A_359 : memref<!tpu.dma_semaphore, #tpu.memory_space<semaphore_mem>>) src(%dma_wait3A_357 : memref<250000x128xf32, #tpu.memory_space<hbm>>) dst(%arg11 : memref<128x128xf32, #tpu.memory_space<vmem>>)
        %gt3A_360 = arith.constant 0 : i32
        %gt3A_361 = arith.cmpi sgt, %scan3A_176, %gt3A_360 : i32
        %convert_element_type3A_362 = arith.extui %gt3A_361 : i1 to i32
        %cond3A_363 = arith.constant 0 : i32
        %cond3A_364 = arith.cmpi ne, %convert_element_type3A_362, %cond3A_363 : i32
        scf.if %cond3A_364 {
          %add3A_379 = arith.constant 1 : i32
          %add3A_380 = arith.addi %mul3A_178, %add3A_379 : i32
          %dma_wait3A_381 = arith.constant 1 : i32
          %dma_wait3A_382 = arith.constant 0 : i32
          %dma_wait3A_383 = tpu.memref_slice %arg4[%add3A_380, %dma_wait3A_382, %add3A_13] : memref<200x32x16384xf32, #tpu.memory_space<hbm>> -> memref<1x32x128xf32, #tpu.memory_space<hbm>>
          %dma_wait3A_384 = tpu.memref_squeeze %dma_wait3A_383 : memref<1x32x128xf32, #tpu.memory_space<hbm>> -> memref<32x128xf32, #tpu.memory_space<hbm>>
          %dma_wait3A_385 = tpu.memref_slice %arg15[%dma_wait3A_381] : memref<2x!tpu.dma_semaphore, #tpu.memory_space<semaphore_mem>> -> memref<1x!tpu.dma_semaphore, #tpu.memory_space<semaphore_mem>>
          %dma_wait3A_386 = tpu.memref_squeeze %dma_wait3A_385 : memref<1x!tpu.dma_semaphore, #tpu.memory_space<semaphore_mem>> -> memref<!tpu.dma_semaphore, #tpu.memory_space<semaphore_mem>>
          %dma_wait3A_387 = arith.constant 0 : i32
          %dma_wait3A_388 = tpu.memref_slice %arg4[%add3A_380, %dma_wait3A_387, %add3A_13] : memref<200x32x16384xf32, #tpu.memory_space<hbm>> -> memref<1x32x128xf32, #tpu.memory_space<hbm>>
          %dma_wait3A_389 = tpu.memref_squeeze %dma_wait3A_388 : memref<1x32x128xf32, #tpu.memory_space<hbm>> -> memref<32x128xf32, #tpu.memory_space<hbm>>
          tpu.wait_dma2 semaphore(%dma_wait3A_386 : memref<!tpu.dma_semaphore, #tpu.memory_space<semaphore_mem>>) src(%arg13 : memref<32x128xf32, #tpu.memory_space<vmem>>) dst(%dma_wait3A_389 : memref<32x128xf32, #tpu.memory_space<hbm>>)
        } else {
        }
        %parallel_loop3A_365 = arith.constant 0 : i32
        %parallel_loop3A_366 = arith.constant 256 : i32
        %parallel_loop3A_367 = arith.constant 1 : i32
        scf.for %parallel_loop3A_379 = %parallel_loop3A_365 to %parallel_loop3A_366 step %parallel_loop3A_367  : i32 {
          %parallel_loop3A_380 = arith.constant 31 : i32
          %parallel_loop3A_381 = arith.andi %parallel_loop3A_379, %parallel_loop3A_380 : i32
          %parallel_loop3A_382 = arith.constant 5 : i32
          %parallel_loop3A_383 = arith.shrsi %parallel_loop3A_379, %parallel_loop3A_382 : i32
          %parallel_loop3A_384 = arith.constant 16 : i32
          %parallel_loop3A_385 = arith.muli %parallel_loop3A_383, %parallel_loop3A_384 : i32
          %parallel_loop3A_386 = vector.broadcast %parallel_loop3A_385 : i32 to vector<16xi32>
          %parallel_loop3A_387 = arith.addi %iota3A, %parallel_loop3A_386 : vector<16xi32>
          %parallel_loop3A_388 = arith.constant 16 : i32
          %parallel_loop3A_389 = arith.muli %parallel_loop3A_383, %parallel_loop3A_388 : i32
          %parallel_loop3A_390 = arith.index_cast %parallel_loop3A_389 : i32 to index
          %parallel_loop3A_391 = tpu.vector_load %arg9[%parallel_loop3A_390] {strides = array<i32>} : memref<128xi32, #tpu.memory_space<vmem>>, vector<16xi32>,
          %parallel_loop3A_392 = vector.broadcast %parallel_loop3A_381 : i32 to vector<16xi32>
          %parallel_loop3A_393 = arith.addi %parallel_loop3A_391, %parallel_loop3A_392 : vector<16xi32>
          %parallel_loop3A_394 = tpu.vector_load_idx %arg11[%parallel_loop3A_387, %parallel_loop3A_393] : memref<128x128xf32, #tpu.memory_space<vmem>>[vector<16xi32>, vector<16xi32>], vector<16xf32>,
          %parallel_loop3A_395 = arith.constant 16 : i32
          %parallel_loop3A_396 = arith.muli %parallel_loop3A_383, %parallel_loop3A_395 : i32
          %parallel_loop3A_397 = arith.index_cast %parallel_loop3A_381 : i32 to index
          %parallel_loop3A_398 = arith.index_cast %parallel_loop3A_396 : i32 to index
          %parallel_loop3A_399 = tpu.vector_load %arg13[%parallel_loop3A_397, %parallel_loop3A_398] {strides = array<i32>} : memref<32x128xf32, #tpu.memory_space<vmem>>, vector<16xf32>,
          tpu.vector_store %arg13[%parallel_loop3A_397, %parallel_loop3A_398], %parallel_loop3A_394 {strides = array<i32>} : memref<32x128xf32, #tpu.memory_space<vmem>>, vector<16xf32>,
        } {sc.loop_unroll_factor = 16 : i64, sc.parallel_access}
        %add3A_368 = arith.constant 1 : i32
        %add3A_369 = arith.addi %mul3A_178, %add3A_368 : i32
        %dma_start3A_370 = arith.constant 1 : i32
        %dma_start3A_371 = arith.constant 0 : i32
        %dma_start3A_372 = tpu.memref_slice %arg4[%add3A_369, %dma_start3A_371, %add3A_13] : memref<200x32x16384xf32, #tpu.memory_space<hbm>> -> memref<1x32x128xf32, #tpu.memory_space<hbm>>
        %dma_start3A_373 = tpu.memref_squeeze %dma_start3A_372 : memref<1x32x128xf32, #tpu.memory_space<hbm>> -> memref<32x128xf32, #tpu.memory_space<hbm>>
        %dma_start3A_374 = tpu.memref_slice %arg15[%dma_start3A_370] : memref<2x!tpu.dma_semaphore, #tpu.memory_space<semaphore_mem>> -> memref<1x!tpu.dma_semaphore, #tpu.memory_space<semaphore_mem>>
        %dma_start3A_375 = tpu.memref_squeeze %dma_start3A_374 : memref<1x!tpu.dma_semaphore, #tpu.memory_space<semaphore_mem>> -> memref<!tpu.dma_semaphore, #tpu.memory_space<semaphore_mem>>
        %dma_start3A_376 = arith.constant 0 : i32
        %dma_start3A_377 = tpu.memref_slice %arg4[%add3A_369, %dma_start3A_376, %add3A_13] : memref<200x32x16384xf32, #tpu.memory_space<hbm>> -> memref<1x32x128xf32, #tpu.memory_space<hbm>>
        %dma_start3A_378 = tpu.memref_squeeze %dma_start3A_377 : memref<1x32x128xf32, #tpu.memory_space<hbm>> -> memref<32x128xf32, #tpu.memory_space<hbm>>
        tpu.enqueue_dma source(%arg13 : memref<32x128xf32, #tpu.memory_space<vmem>>) target(%dma_start3A_378 : memref<32x128xf32, #tpu.memory_space<hbm>>) target_semaphore(%dma_start3A_375 : memref<!tpu.dma_semaphore, #tpu.memory_space<semaphore_mem>>)
      }
      %scan3A_156 = arith.constant 100 : i32
      %dma_wait3A = arith.constant 198 : i32
      %dma_wait3A_157 = arith.constant 0 : i32
      %dma_wait3A_158 = arith.constant 0 : i32
      %dma_wait3A_159 = tpu.memref_slice %arg4[%dma_wait3A, %dma_wait3A_158, %add3A_13] : memref<200x32x16384xf32, #tpu.memory_space<hbm>> -> memref<1x32x128xf32, #tpu.memory_space<hbm>>
      %dma_wait3A_160 = tpu.memref_squeeze %dma_wait3A_159 : memref<1x32x128xf32, #tpu.memory_space<hbm>> -> memref<32x128xf32, #tpu.memory_space<hbm>>
      %dma_wait3A_161 = tpu.memref_slice %arg15[%dma_wait3A_157] : memref<2x!tpu.dma_semaphore, #tpu.memory_space<semaphore_mem>> -> memref<1x!tpu.dma_semaphore, #tpu.memory_space<semaphore_mem>>
      %dma_wait3A_162 = tpu.memref_squeeze %dma_wait3A_161 : memref<1x!tpu.dma_semaphore, #tpu.memory_space<semaphore_mem>> -> memref<!tpu.dma_semaphore, #tpu.memory_space<semaphore_mem>>
      %dma_wait3A_163 = arith.constant 0 : i32
      %dma_wait3A_164 = tpu.memref_slice %arg4[%dma_wait3A, %dma_wait3A_163, %add3A_13] : memref<200x32x16384xf32, #tpu.memory_space<hbm>> -> memref<1x32x128xf32, #tpu.memory_space<hbm>>
      %dma_wait3A_165 = tpu.memref_squeeze %dma_wait3A_164 : memref<1x32x128xf32, #tpu.memory_space<hbm>> -> memref<32x128xf32, #tpu.memory_space<hbm>>
      tpu.wait_dma2 semaphore(%dma_wait3A_162 : memref<!tpu.dma_semaphore, #tpu.memory_space<semaphore_mem>>) src(%arg12 : memref<32x128xf32, #tpu.memory_space<vmem>>) dst(%dma_wait3A_165 : memref<32x128xf32, #tpu.memory_space<hbm>>)
      %dma_wait3A_166 = arith.constant 199 : i32
      %dma_wait3A_167 = arith.constant 1 : i32
      %dma_wait3A_168 = arith.constant 0 : i32
      %dma_wait3A_169 = tpu.memref_slice %arg4[%dma_wait3A_166, %dma_wait3A_168, %add3A_13] : memref<200x32x16384xf32, #tpu.memory_space<hbm>> -> memref<1x32x128xf32, #tpu.memory_space<hbm>>
      %dma_wait3A_170 = tpu.memref_squeeze %dma_wait3A_169 : memref<1x32x128xf32, #tpu.memory_space<hbm>> -> memref<32x128xf32, #tpu.memory_space<hbm>>
      %dma_wait3A_171 = tpu.memref_slice %arg15[%dma_wait3A_167] : memref<2x!tpu.dma_semaphore, #tpu.memory_space<semaphore_mem>> -> memref<1x!tpu.dma_semaphore, #tpu.memory_space<semaphore_mem>>
      %dma_wait3A_172 = tpu.memref_squeeze %dma_wait3A_171 : memref<1x!tpu.dma_semaphore, #tpu.memory_space<semaphore_mem>> -> memref<!tpu.dma_semaphore, #tpu.memory_space<semaphore_mem>>
      %dma_wait3A_173 = arith.constant 0 : i32
      %dma_wait3A_174 = tpu.memref_slice %arg4[%dma_wait3A_166, %dma_wait3A_173, %add3A_13] : memref<200x32x16384xf32, #tpu.memory_space<hbm>> -> memref<1x32x128xf32, #tpu.memory_space<hbm>>
      %dma_wait3A_175 = tpu.memref_squeeze %dma_wait3A_174 : memref<1x32x128xf32, #tpu.memory_space<hbm>> -> memref<32x128xf32, #tpu.memory_space<hbm>>
      tpu.wait_dma2 semaphore(%dma_wait3A_172 : memref<!tpu.dma_semaphore, #tpu.memory_space<semaphore_mem>>) src(%arg13 : memref<32x128xf32, #tpu.memory_space<vmem>>) dst(%dma_wait3A_175 : memref<32x128xf32, #tpu.memory_space<hbm>>)
    }
    %scan3A_9 = arith.constant 4 : i32
    return
  }
}

</mosaic_0001>

<sc_bundles>
// kernel: kernel.3.cloned.1.call-start
scs
__scs_entry_jumppad:
0x0: {  	(pc) =	sbr.rel $0x88, $3  }
0x1: {  	(tag) =	ssettag $0x0;
	lr =	simm.s32 $0x1  }
0x2: {  	[smem:$0x3F9F] =	sst lr;
	_ =	strace $0xD0000000  }
0x3: {  	_ = 	snop  }
0x4: {  	_ = 	snop  }
0x5: {  	_ = 	snop  }
0x6: {  	_ = 	snop  }
0x7: {  	_ = 	snop  }
__scs_overlays_trampoline_lowered:
0x8: {  	[smem:$0x3FAE] =	sst s0  }
0x9: {  	[smem:$0x3FAF] =	sst s1  }
0xa: {  	[smem:$0x3FB0] =	sst s2  }
0xb: {  	[smem:$0x3FB1] =	sst s3  }
0xc: {  	[smem:$0x3FB2] =	sst s4  }
0xd: {  	[smem:$0x3FB3] =	sst s5  }
0xe: {  	[smem:$0x3FB4] =	sst s6  }
0xf: {  	[smem:$0x3FB5] =	sst s7  }
0x10: {  	[smem:$0x3FB6] =	sst s8  }
0x11: {  	[smem:$0x3FB7] =	sst s9;
	s0 =	simm.s32 @!p0 $0x0  }
0x12: {  	s1 =	sld [smem:$0x3F9D];
	s0 =	simm.s32 @p0 $0x1  }
0x13: {  	[smem:$0x3FB8] =	sst s0;
	s0 =	simm.s32 @!p1 $0x0  }
0x14: {  	s2 =	sld [smem:$0x3F9C];
	s0 =	simm.s32 @p1 $0x1  }
0x15: {  	[smem:$0x3FB9] =	sst s0;
	s0 =	simm.s32 @!p2 $0x0  }
0x16: {  	s3 =	sld [smem:$0x3FDB];
	s0 =	simm.s32 @p2 $0x1  }
0x17: {  	s4 =	simm.s32 $0x1BF5;
	[smem:$0x3FBB] =	sst s0  }
0x18: {  	s0 =	sld [smem:$0x3F9E];
	_ =	swait.ge [sflag:s4], $0x0  }
0x19: {  	s7 =	sld [smem:$0x3F9F]  }
0x1a: {  	s8 =	sadd.s32 $0xFFFFE003, lr  }
0x1b: {  	s9 =	sadd.s32 $0xFFFFFEF7, lr;
	s5 =	simm.s32 $0xFFFFFFFF;
	p2 =	slt.u32 s8, $0xFFFFF086  }
0x1c: {  	p1 =	slt.u32 s9, $0xF7A;
	s5 =	simm.s32 @!p2 $0x0  }
0x1d: {  	s5 =	simm.s32 @p1 $0x1;
	p0 =	seq.s32 s7, s2  }
0x1e: {  	s7 =	smul.u32 @!p0 $0xF7A, s2;
	p2 =	seq.s32 @!p0 s5, $0x0  }
0x1f: {  	s9 =	smul.u32 $0xF7A, s1;
	s8 =	simm.s32 @!p0 $0x1BF5;
	p2 =	por !p2, p0  }
0x20: {  	[sflag:s8] =	ssyncset.s32 @!p0 $0xFFFFF086;
	s6 =	sadd.s32 @!p0 s3, s7;
	s7 =	simm.s32 @!p0 $0x108  }
0x21: {  	s3 =	sadd.s32 s3, s9;
	s6 =	sadd.s32 @!p0 $0x88, s6;
	s7 =	simm.s32 @p2 $0x1082  }
0x22: {  	[simem:s7], [sflag:s8] =	dma.local @!p0 [hbm:s6], $0xF7A  }
0x23: {  	s9 =	sor.u32 $0xD0000000, s2;
	s6 =	simm.s32 $0x108;
	_ =	swait.ge @!p0 [sflag:s8], $0x0  }
0x24: {  	s3 =	sadd.s32 $0x88, s3;
	s6 =	simm.s32 @!p1 $0x1082;
	[sflag:s4] =	ssyncset.s32 $0xFFFFF086  }
0x25: {  	[simem:s6], [sflag:s4] =	dma.local [hbm:s3], $0xF7A  }
0x26: {  	[smem:$0x3F9F] =	sst s1;
	(tag) =	ssettag s2;
	_ =	strace s9  }
0x27: {  	s1 =	sld [smem:$0x3FAF]  }
0x28: {  	s2 =	sld [smem:$0x3FB0]  }
0x29: {  	s4 =	sld [smem:$0x3FB2]  }
0x2a: {  	p0 =	seq.s32 s5, $0x0;
	s5 =	sld [smem:$0x3FB3]  }
0x2b: {  	s6 =	sld [smem:$0x3FB4]  }
0x2c: {  	s7 =	sld [smem:$0x3FB5]  }
0x2d: {  	s3 =	simm.s32 $0x108;
	s8 =	sld [smem:$0x3FB6]  }
0x2e: {  	s3 =	simm.s32 @!p0 $0x1082;
	s9 =	sld [smem:$0x3FB7]  }
0x2f: {  	lr =	sadd.s32 s0, s3;
	s0 =	sld [smem:$0x3FAE]  }
0x30: {  	s3 =	sld [smem:$0x3FB1]  }
0x31: {  	[smem:$0x3FBA] =	sst s10  }
0x32: {  	s10 =	sld [smem:$0x3FB8];
	_ =	sdelay $0x3  }
0x33: {  	p0 =	seq.s32 s10, $0x1;
	s10 =	sld [smem:$0x3FBA];
	_ =	sdelay $0x3  }
0x34: {  	[smem:$0x3FBA] =	sst s10  }
0x35: {  	s10 =	sld [smem:$0x3FB9];
	_ =	sdelay $0x3  }
0x36: {  	p1 =	seq.s32 s10, $0x1;
	s10 =	sld [smem:$0x3FBA];
	_ =	sdelay $0x3  }
0x37: {  	[smem:$0x3FBA] =	sst s10  }
0x38: {  	s10 =	sld [smem:$0x3FBB]  }
0x39: {  	_ = 	snop;
	(pc) =	sbr.ind lr, $3  }
0x3a: {  	_ = 	snop  }
0x3b: {  	_ = 	snop  }
0x3c: {  	p2 =	seq.s32 s10, $0x1;
	s10 =	sld [smem:$0x3FBA]  }
0x3d: {  	_ =	shalt  }
0x3e: {  	_ =	shalt  }
0x3f: {  	_ =	shalt  }
0x40: {  	_ =	shalt  }
0x41: {  	_ =	shalt  }
0x42: {  	_ =	shalt  }
0x43: {  	_ =	shalt  }
0x44: {  	_ =	shalt  }
0x45: {  	_ =	shalt  }
0x46: {  	_ =	shalt  }
0x47: {  	_ =	shalt  }
0x48: {  	_ =	shalt  }
0x49: {  	_ =	shalt  }
0x4a: {  	_ =	shalt  }
0x4b: {  	_ =	shalt  }
0x4c: {  	_ =	shalt  }
0x4d: {  	_ =	shalt  }
0x4e: {  	_ =	shalt  }
0x4f: {  	_ =	shalt  }
0x50: {  	_ =	shalt  }
0x51: {  	_ =	shalt  }
0x52: {  	_ =	shalt  }
0x53: {  	_ =	shalt  }
0x54: {  	_ =	shalt  }
0x55: {  	_ =	shalt  }
0x56: {  	_ =	shalt  }
0x57: {  	_ =	shalt  }
0x58: {  	_ =	shalt  }
0x59: {  	_ =	shalt  }
0x5a: {  	_ =	shalt  }
0x5b: {  	_ =	shalt  }
0x5c: {  	_ =	shalt  }
0x5d: {  	_ =	shalt  }
0x5e: {  	_ =	shalt  }
0x5f: {  	_ =	shalt  }
0x60: {  	_ =	shalt  }
0x61: {  	_ =	shalt  }
0x62: {  	_ =	shalt  }
0x63: {  	_ =	shalt  }
0x64: {  	_ =	shalt  }
0x65: {  	_ =	shalt  }
0x66: {  	_ =	shalt  }
0x67: {  	_ =	shalt  }
0x68: {  	_ =	shalt  }
0x69: {  	_ =	shalt  }
0x6a: {  	_ =	shalt  }
0x6b: {  	_ =	shalt  }
0x6c: {  	_ =	shalt  }
0x6d: {  	_ =	shalt  }
0x6e: {  	_ =	shalt  }
0x6f: {  	_ =	shalt  }
0x70: {  	_ =	shalt  }
0x71: {  	_ =	shalt  }
0x72: {  	_ =	shalt  }
0x73: {  	_ =	shalt  }
0x74: {  	_ =	shalt  }
0x75: {  	_ =	shalt  }
0x76: {  	_ =	shalt  }
0x77: {  	_ =	shalt  }
0x78: {  	_ =	shalt  }
0x79: {  	_ =	shalt  }
0x7a: {  	_ =	shalt  }
0x7b: {  	_ =	shalt  }
0x7c: {  	_ =	shalt  }
0x7d: {  	_ =	shalt  }
0x7e: {  	_ =	shalt  }
0x7f: {  	_ =	shalt  }
0x80: {  	_ =	shalt  }
0x81: {  	_ =	shalt  }
0x82: {  	_ =	shalt  }
0x83: {  	_ =	shalt  }
0x84: {  	_ =	shalt  }
0x85: {  	_ =	shalt  }
0x86: {  	_ =	shalt  }
0x87: {  	_ =	shalt  }
.Lfunc_end0:
.L_simem_size_0:
called_computation_lowered:
.L_overlay_start_0:
0x88: {  	s2 =	sld [smem:$0x3FD9]  }
0x89: {  	s3 =	sld [smem:$0x3FFE];
	_ =	sdelay $0x1  }
0x8a: {  	s1 =	srdreg.scid  }
0x8b: {  	s0 =	sand.u32 $0x1, s1  }
0x8c: {  	s17 =	sshll.u32 s0, $0xA;
	s2 =	sadd.s32 s3, s2  }
0x8d: {  	s2 =	sadd.s32 s2, s17  }
0x8e: {  	[smem:$0x3FC6] =	sst s2  }
0x8f: {  	_ = 	snop  }
0x90: {  	s2 =	sld [smem:$0x3FD0];
	(tm) =	ssettm $0x1  }
0x91: {  	s18 =	sld [smem:$0x3FFB];
	_ =	sdelay $0x3  }
0x92: {  	_ =	strace s18  }
0x93: {  	s3 =	sld [smem:$0x3FFC];
	_ =	sdelay $0x3  }
0x94: {  	_ =	strace s3  }
0x95: {  	s3 =	sld [smem:$0x3FFD];
	_ =	sdelay $0x3  }
0x96: {  	_ =	strace s3  }
0x97: {  	_ =	strace $0x8FFFFFFF  }
0x98: {  	s19 =	sld [smem:$0x3FDB];
	_ =	sdelay $0x1  }
0x99: {  	s4 =	simm.s32 $_scs_section_size  }
0x9a: {  	s5 =	simm.s32 $_size__tile_overlayer_lowered;
	s6 =	simm.s32 $_tile_overlayer_lowered  }
0x9b: {  	s22 =	simm.s32 $0x1BFF;
	s21 =	sshll.u32 s6, $0x1;
	s3 =	sadd.s32 s4, s19  }
0x9c: {  	s7 =	simm.s32 $0x0;
	s20 =	sshll.u32 s5, $0x1;
	s5 =	sadd.s32 s21, s3  }
0x9d: {  	[timem:s7], [sflag:s22] =	dma.local [hbm:s5], s20  }
0x9e: {  	_ =	swait.ge [sflag:s22], s20  }
0x9f: {  	s4 =	ssub.s32 $0x0, s20;
	[sflag:s22] =	ssyncset.done $0x0  }
0xa0: {  	[sflag:s22] =	ssyncadd.s32 s4;
	_ =	sdelay $0x1  }
0xa1: {  	s23 =	simm.s32 $0x1B8B  }
0xa2: {  	_ =	swait.ge [sflag:s23], $0x1  }
0xa3: {  	[sflag:s23] =	ssyncset.done $0x0  }
0xa4: {  	s25 =	simm.s32 $0x1B8E;
	s24 =	sld [smem:$0x3FFE];
	[sflag:s23] =	ssyncadd.s32 $0xFFFFFFFF  }
0xa5: {  	s26 =	simm.s32 $execute0_lowered;
	[smem:$0x3FD2] =	sst s25  }
0xa6: {  	s5 =	sshll.u32 s26, $0x1;
	_ =	strace $0x80000046;
	[dreg:$0x1] =	wrdreg $0xFFFFFFFF  }
0xa7: {  	s28 =	simm.s32 $_size_execute0_lowered;
	s3 =	sadd.s32 s3, s5;
	[dreg:$0x0] =	wrdreg $0x0  }
0xa8: {  	s5 =	sshll.u32 s28, $0x1;
	[dreg:$0x2] =	wrdreg s3  }
0xa9: {  	[dreg:$0x3] =	wrdreg s5  }
0xaa: {  	[dreg:$0x4] =	wrdreg $0xC0  }
0xab: {  	_ =	task [dreg:s7], $0x5FFFF  }
0xac: {  	[dreg:$0x1] =	wrdreg $0xFFFFFFFF  }
0xad: {  	[dreg:$0x0] =	wrdreg $0x60  }
0xae: {  	[dreg:$0x2] =	wrdreg s24  }
0xaf: {  	[dreg:$0x3] =	wrdreg s2  }
0xb0: {  	[dreg:$0x4] =	wrdreg $0x9  }
0xb1: {  	_ =	task.clear_ibuf [dreg:s7], $0x5FFFF;
	_ =	strace $0x90000046  }
0xb2: {  	s29 =	simm.s32 $0x9;
	_ =	strace $0x80000048  }
0xb3: {  	_ =	swait.ge [sflag:s29], $0x1  }
0xb4: {  	[sflag:s29] =	ssyncadd.s32 $0xFFFFFFFF  }
0xb5: {  	_ =	strace $0x90000048  }
0xb6: {  	_ =	sfence  }
0xb7: {  	s30 =	sld [smem:$0x0];
	_ =	sdelay $0x2  }
0xb8: {  	s31 =	sshll.u32 s1, $0xD;
	s1 =	sshrl.u32 s1, $0x2  }
0xb9: {  	s3 =	sand.u32 $0x4000, s31;
	s1 =	sadd.s32 s1, s30  }
0xba: {  	s0 =	sor.u32 s3, s0;
	s1 =	sshll.u32 s1, $0x11  }
0xbb: {  	s0 =	sor.u32 s1, s0  }
0xbc: {  	s0 =	sadd.s32 $0x8F2B, s0  }
0xbd: {  	[sflag:s0] =	ssyncadd.remote.s32 $0x1  }
0xbe: {  	_ =	sfence.sel $0xFFFF  }
0xbf: {  	[dreg:$0x0] =	wrdreg $0xFFFFFFFF;
	(pc) =	sbr.abs _section_cstart, $3  }
0xc0: {  	[dreg:$0x1] =	wrdreg $0xFFFFFFFF  }
0xc1: {  	_ =	task.clear_ibuf [dreg:s7], $0x2FFFF;
	_ =	strace $0x9FFFFFFF  }
0xc2: {  	(tm) =	ssettm $0x7FFFFFFF  }
0xc3: {  	_ =	shalt  }
tec
execute0_lowered:
.L_overlay_start_1:
0x0: {  	(tag) =	ssettag $0x1  }
0x1: {  	s0 =	rddreg [dreg:$0x0];
	s2 =	simm.s32 $0x0;
	s1 =	srdreg.scid  }
0x2: {  	s4 =	stileid.u32;
	[smem:$0x7FF] =	sst s2  }
0x3: {  	v8 =	vlaneseq.u32;
	s1 =	sand.u32 $0x1, s1;
	s3 =	sadd.s32 $0x600, s0;
	s29 =	sshll.u32 s4, $0xA  }
0x4: {  	s0 =	sadd.s32 $0xF42A00, s0;
	v0 =	vmul.u32 $0xC8, v8;
	_ =	strace $0x80000047;
	s26 =	ssub.s32 $0x2, s1  }
0x5: {  	[dreg:$0xb] =	wrdreg s3;
	s1 =	sshll.u32 s1, $0x9;
	s28 =	sshrl.u32 s26, $0x1  }
0x6: {  	v8 =	vmul.u32 $0x80, v8;
	[dreg:$0xc] =	wrdreg s0;
	s30 =	sor.u32 s1, s29;
	v1 =	vadd.s32 $0xC80, v0;
	s2 =	ssub.s32 s26, s28  }
0x7: {  	v2 =	vadd.s32 $0x1900, v0;
	v3 =	vadd.s32 $0x2580, v0;
	v4 =	vadd.s32 $0x3200, v0;
	[dreg:$0xd] =	wrdreg s30;
	s31 =	smax.u32 s2, $0x1  }
0x8: {  	s13 =	simm.s32 $0x6600;
	v5 =	vadd.s32 $0x3E80, v0;
	v6 =	vadd.s32 $0x4B00, v0;
	v7 =	vadd.s32 $0x5780, v0;
	s1 =	simm.s32 $0x0;
	[dreg:$0xe] =	wrdreg s31  }
.LBB2_1:
0x9: {  	[dreg:$0xf] =	wrdreg s1;
	s1 =	simm.s32 $0x0  }
.LBB2_2:
0xa: {  	s0 =	sshll.u32 s1, $0x7;
	s25 =	rddreg [dreg:$0xd]  }
0xb: {  	s0 =	sadd.s32 s25, s0  }
0xc: {  	[dreg:$0x10] =	wrdreg s1;
	s1 =	smul.u32 $0x19, s0  }
0xd: {  	s2 =	rddreg [dreg:$0xb]  }
0xe: {  	s26 =	simm.s32 $0x0;
	s28 =	simm.s32 $0x5;
	s1 =	sadd.s32 s2, s1  }
0xf: {  	[tilespmem:s26], [sflag:$0x5] =	stream.linear.gather [hbm4b:s1+s26], $0x6400, $0x38;
	[tilespmem:$0x10600] =	vst v63  }
0x10: {  	_ =	swait.ge [sflag:s28], $0x6400  }
0x11: {  	[sflag:s28] =	ssyncset.done $0x0  }
0x12: {  	[sflag:s28] =	ssyncadd.s32 $0xFFFF9C00  }
0x13: {  	v9 =	vld.idx.msk [tilespmem:v0+s26+$0x0], $0xffff;
	_ =	sdelay $0x4  }
0x14: {  	v10 =	vshra.s32 v9, $0x2;
	v9 =	vshll.u32 v9, $0x5  }
0x15: {  	[tilespmem:$0x6400] =	vst v10;
	v9 =	vand.u32 $0x60, v9  }
0x16: {  	[tilespmem:$0x6500] =	vst v9  }
0x17: {  	v9 =	vld.idx.msk [tilespmem:v1+s26+$0x0], $0xffff;
	_ =	sdelay $0x4  }
0x18: {  	v10 =	vshra.s32 v9, $0x2;
	v9 =	vshll.u32 v9, $0x5  }
0x19: {  	[tilespmem:$0x6410] =	vst v10;
	v9 =	vand.u32 $0x60, v9  }
0x1a: {  	[tilespmem:$0x6510] =	vst v9  }
0x1b: {  	v9 =	vld.idx.msk [tilespmem:v2+s26+$0x0], $0xffff;
	_ =	sdelay $0x4  }
0x1c: {  	v10 =	vshra.s32 v9, $0x2;
	v9 =	vshll.u32 v9, $0x5  }
0x1d: {  	[tilespmem:$0x6420] =	vst v10;
	v9 =	vand.u32 $0x60, v9  }
0x1e: {  	[tilespmem:$0x6520] =	vst v9  }
0x1f: {  	v9 =	vld.idx.msk [tilespmem:v3+s26+$0x0], $0xffff;
	_ =	sdelay $0x4  }
0x20: {  	v10 =	vshra.s32 v9, $0x2;
	v9 =	vshll.u32 v9, $0x5  }
0x21: {  	[tilespmem:$0x6430] =	vst v10;
	v9 =	vand.u32 $0x60, v9  }
0x22: {  	[tilespmem:$0x6530] =	vst v9  }
0x23: {  	v9 =	vld.idx.msk [tilespmem:v4+s26+$0x0], $0xffff;
	_ =	sdelay $0x4  }
0x24: {  	v10 =	vshra.s32 v9, $0x2;
	v9 =	vshll.u32 v9, $0x5  }
0x25: {  	[tilespmem:$0x6440] =	vst v10;
	v9 =	vand.u32 $0x60, v9  }
0x26: {  	[tilespmem:$0x6540] =	vst v9  }
0x27: {  	v9 =	vld.idx.msk [tilespmem:v5+s26+$0x0], $0xffff;
	_ =	sdelay $0x4  }
0x28: {  	v10 =	vshra.s32 v9, $0x2;
	v9 =	vshll.u32 v9, $0x5  }
0x29: {  	[tilespmem:$0x6450] =	vst v10;
	v9 =	vand.u32 $0x60, v9  }
0x2a: {  	[tilespmem:$0x6550] =	vst v9  }
0x2b: {  	v9 =	vld.idx.msk [tilespmem:v6+s26+$0x0], $0xffff;
	_ =	sdelay $0x4  }
0x2c: {  	v10 =	vshra.s32 v9, $0x2;
	v9 =	vshll.u32 v9, $0x5  }
0x2d: {  	[tilespmem:$0x6460] =	vst v10;
	v9 =	vand.u32 $0x60, v9  }
0x2e: {  	[tilespmem:$0x6560] =	vst v9  }
0x2f: {  	v9 =	vld.idx.msk [tilespmem:v7+s26+$0x0], $0xffff;
	_ =	sdelay $0x4  }
0x30: {  	v10 =	vshra.s32 v9, $0x2;
	v9 =	vshll.u32 v9, $0x5  }
0x31: {  	s30 =	simm.s32 $0x80;
	s31 =	rddreg [dreg:$0x1];
	[tilespmem:$0x6470] =	vst v10;
	v9 =	vand.u32 $0x60, v9  }
0x32: {  	s3 =	simm.s32 $0x6400;
	s29 =	rddreg [dreg:$0xc];
	s0 =	sadd.s32 s31, s0;
	[tilespmem:$0x6570] =	vst v9  }
0x33: {  	[tilespmem:s13], [sflag:$0x1] =	stream.indirect.gather [hbm4b:s29+s30], $0x80, s3, s30, $0xb8;
	[tilespmem:$0x10600] =	vst v63  }
0x34: {  	s4 =	simm.s32 $0x0;
	[dreg:$0x11] =	wrdreg s0;
	s3 =	simm.s32 $0xA600  }
.LBB2_3:
0x35: {  	s0 =	sshllo.u32 s4, $0x1  }
0x36: {  	v9 =	vadd.s32 s0, v0;
	_ =	sdelay $0x3  }
0x37: {  	s1 =	simm.s32 $0x0  }
0x38: {  	v9 =	vld.idx.msk [tilespmem:v9+s1+$0x0], $0xffff  }
0x39: {  	s2 =	sshll.u32 s4, $0x1  }
0x3a: {  	s20 =	sadd.s32 $0xC81, s2  }
0x3b: {  	v10 =	vadd.s32 s20, v0;
	_ =	sdelay $0x1  }
0x3c: {  	v11 =	vshra.s32 v9, $0x2;
	v9 =	vshll.u32 v9, $0x5  }
0x3d: {  	[tilespmem:$0x6480] =	vst v11;
	v9 =	vand.u32 $0x60, v9  }
0x3e: {  	[tilespmem:$0x6580] =	vst v9  }
0x3f: {  	v9 =	vld.idx.msk [tilespmem:v10+s1+$0x0], $0xffff;
	_ =	sdelay $0x1  }
0x40: {  	s21 =	sor.u32 $0x1901, s2  }
0x41: {  	v10 =	vadd.s32 s21, v0;
	_ =	sdelay $0x1  }
0x42: {  	v11 =	vshra.s32 v9, $0x2;
	v9 =	vshll.u32 v9, $0x5  }
0x43: {  	[tilespmem:$0x6490] =	vst v11;
	v9 =	vand.u32 $0x60, v9  }
0x44: {  	[tilespmem:$0x6590] =	vst v9  }
0x45: {  	v9 =	vld.idx.msk [tilespmem:v10+s1+$0x0], $0xffff;
	_ =	sdelay $0x1  }
0x46: {  	s22 =	sadd.s32 $0x2581, s2  }
0x47: {  	v10 =	vadd.s32 s22, v0;
	_ =	sdelay $0x1  }
0x48: {  	v11 =	vshra.s32 v9, $0x2;
	v9 =	vshll.u32 v9, $0x5  }
0x49: {  	[tilespmem:$0x64A0] =	vst v11;
	v9 =	vand.u32 $0x60, v9  }
0x4a: {  	[tilespmem:$0x65A0] =	vst v9  }
0x4b: {  	v9 =	vld.idx.msk [tilespmem:v10+s1+$0x0], $0xffff;
	_ =	sdelay $0x1  }
0x4c: {  	s23 =	sor.u32 $0x3201, s2  }
0x4d: {  	v10 =	vadd.s32 s23, v0;
	_ =	sdelay $0x1  }
0x4e: {  	v11 =	vshra.s32 v9, $0x2;
	v9 =	vshll.u32 v9, $0x5  }
0x4f: {  	[tilespmem:$0x64B0] =	vst v11;
	v9 =	vand.u32 $0x60, v9  }
0x50: {  	[tilespmem:$0x65B0] =	vst v9  }
0x51: {  	v9 =	vld.idx.msk [tilespmem:v10+s1+$0x0], $0xffff;
	_ =	sdelay $0x1  }
0x52: {  	s24 =	sadd.s32 $0x3E81, s2  }
0x53: {  	v10 =	vadd.s32 s24, v0;
	_ =	sdelay $0x1  }
0x54: {  	v11 =	vshra.s32 v9, $0x2;
	v9 =	vshll.u32 v9, $0x5  }
0x55: {  	[tilespmem:$0x64C0] =	vst v11;
	v9 =	vand.u32 $0x60, v9  }
0x56: {  	[tilespmem:$0x65C0] =	vst v9  }
0x57: {  	v9 =	vld.idx.msk [tilespmem:v10+s1+$0x0], $0xffff;
	_ =	sdelay $0x1  }
0x58: {  	s25 =	sor.u32 $0x4B01, s2  }
0x59: {  	v10 =	vadd.s32 s25, v0;
	_ =	sdelay $0x1  }
0x5a: {  	v11 =	vshra.s32 v9, $0x2;
	v9 =	vshll.u32 v9, $0x5  }
0x5b: {  	[tilespmem:$0x64D0] =	vst v11;
	v9 =	vand.u32 $0x60, v9  }
0x5c: {  	[tilespmem:$0x65D0] =	vst v9  }
0x5d: {  	v9 =	vld.idx.msk [tilespmem:v10+s1+$0x0], $0xffff;
	_ =	sdelay $0x1  }
0x5e: {  	s26 =	sadd.s32 $0x5781, s2  }
0x5f: {  	v10 =	vadd.s32 s26, v0;
	_ =	sdelay $0x1  }
0x60: {  	v11 =	vshra.s32 v9, $0x2;
	v9 =	vshll.u32 v9, $0x5  }
0x61: {  	[tilespmem:$0x64E0] =	vst v11;
	v9 =	vand.u32 $0x60, v9  }
0x62: {  	[tilespmem:$0x65E0] =	vst v9  }
0x63: {  	v9 =	vld.idx.msk [tilespmem:v10+s1+$0x0], $0xffff;
	_ =	sdelay $0x4  }
0x64: {  	s28 =	rddreg [dreg:$0xc];
	v10 =	vshra.s32 v9, $0x2;
	v9 =	vshll.u32 v9, $0x5  }
0x65: {  	s29 =	simm.s32 $0x80;
	[dreg:$0x13] =	wrdreg s0;
	[tilespmem:$0x64F0] =	vst v10;
	v9 =	vand.u32 $0x60, v9  }
0x66: {  	s31 =	simm.s32 $0x6480;
	[dreg:$0x14] =	wrdreg s2;
	s2 =	simm.s32 $0x1;
	[tilespmem:$0x65F0] =	vst v9  }
0x67: {  	[tilespmem:s3], [sflag:$0x2] =	stream.indirect.gather [hbm4b:s28+s29], $0x80, s31, s29, $0xb8;
	[tilespmem:$0x10600] =	vst v63  }
0x68: {  	_ =	swait.ge [sflag:s2], $0x4000  }
0x69: {  	p0 =	seq.s32 s4, $0x0;
	[sflag:s2] =	ssyncset.done $0x0  }
0x6a: {  	s0 =	simm.s32 @!p0 $0x3;
	[dreg:$0x12] =	wrdreg s4;
	[sflag:s2] =	ssyncadd.s32 $0xFFFFC000  }
0x6b: {  	_ =	swait.ge @!p0 [sflag:s0], $0x1000  }
0x6c: {  	s3 =	simm.s32 $0x0;
	[sflag:s0] =	ssyncset.done @!p0 $0x0  }
0x6d: {  	[sflag:s0] =	ssyncadd.s32 @!p0 $0xFFFFF000;
	s0 =	sand.u32 $0x70, s3  }
0x6e: {  	v9 =	vld [tilespmem:s0+$0x6500];
	_ =	sdelay $0x1  }
0x6f: {  	s4 =	simm.s32 $0x0  }
0x70: {  	s5 =	sand.u32 $0x10, s4;
	v10 =	vmov s0  }
0x71: {  	s6 =	sor.u32 $0xF, s5;
	v10 =	vshll.u32 v10, $0x7  }
0x72: {  	s19 =	sor.u32 $0x1, s5;
	s21 =	sor.u32 $0x2, s5;
	s23 =	sor.u32 $0x3, s5;
	v10 =	vor.u32 v8, v10;
	v11 =	vadd.s32 s5, v9;
	v12 =	vadd.s32 s6, v9  }
0x73: {  	s1 =	sor.u32 $0x4, s5;
	s16 =	sor.u32 $0x6, s5;
	s17 =	sor.u32 $0x7, s5;
	v13 =	vadd.s32 s19, v9;
	v15 =	vadd.s32 s21, v9;
	v16 =	vadd.s32 s23, v9  }
0x74: {  	s12 =	sor.u32 $0x8, s5;
	s15 =	sor.u32 $0x9, s5;
	s10 =	sor.u32 $0xA, s5;
	v17 =	vadd.s32 s1, v9;
	v18 =	vadd.s32 s16, v9;
	v19 =	vadd.s32 s17, v9  }
0x75: {  	s8 =	sor.u32 $0xB, s5;
	s9 =	sor.u32 $0xC, s5;
	s7 =	sor.u32 $0xD, s5;
	v20 =	vadd.s32 s12, v9;
	v21 =	vadd.s32 s15, v9;
	v22 =	vadd.s32 s10, v9  }
0x76: {  	v23 =	vadd.s32 s8, v9;
	v24 =	vadd.s32 s9, v9;
	v25 =	vadd.s32 s7, v9  }
0x77: {  	v14 =	vand.u32 $0xFFFFFF80, v12;
	v12 =	vand.u32 $0x7F, v12;
	v26 =	vand.u32 $0xFFFFFF80, v11  }
0x78: {  	v27 =	vand.u32 $0xFFFFFF80, v13;
	v28 =	vand.u32 $0xFFFFFF80, v15;
	v29 =	vand.u32 $0xFFFFFF80, v16  }
0x79: {  	v30 =	vand.u32 $0xFFFFFF80, v17;
	v32 =	vand.u32 $0xFFFFFF80, v18;
	v33 =	vand.u32 $0xFFFFFF80, v19  }
0x7a: {  	v34 =	vand.u32 $0xFFFFFF80, v20;
	v35 =	vand.u32 $0xFFFFFF80, v21;
	v36 =	vand.u32 $0xFFFFFF80, v22  }
0x7b: {  	v37 =	vand.u32 $0xFFFFFF80, v23;
	v38 =	vand.u32 $0xFFFFFF80, v24;
	v39 =	vand.u32 $0xFFFFFF80, v25  }
0x7c: {  	v11 =	vand.u32 $0x7F, v11;
	v13 =	vand.u32 $0x7F, v13;
	v15 =	vand.u32 $0x7F, v15  }
0x7d: {  	v16 =	vand.u32 $0x7F, v16;
	v17 =	vand.u32 $0x7F, v17;
	v22 =	vand.u32 $0x7F, v22  }
0x7e: {  	v23 =	vand.u32 $0x7F, v23;
	v24 =	vand.u32 $0x7F, v24;
	v14 =	vadd.s32 v10, v14  }
0x7f: {  	v26 =	vadd.s32 v10, v26;
	v27 =	vadd.s32 v10, v27;
	v28 =	vadd.s32 v10, v28  }
0x80: {  	v29 =	vadd.s32 v10, v29;
	v30 =	vadd.s32 v10, v30;
	v12 =	vor.u32 v12, v14  }
0x81: {  	s14 =	simm.s32 $0x8;
	v32 =	vadd.s32 v10, v32;
	v33 =	vadd.s32 v10, v33;
	v34 =	vadd.s32 v10, v34  }
0x82: {  	s30 =	simm.s32 $0x10;
	s20 =	sand.u32 $0x70, s14;
	v35 =	vadd.s32 v10, v35;
	v36 =	vadd.s32 v10, v36;
	v11 =	vor.u32 v11, v26  }
0x83: {  	s22 =	sor.u32 $0x5, s5;
	s11 =	sor.u32 $0xE, s5;
	s23 =	sshll.u32 s23, $0x7;
	v37 =	vadd.s32 v10, v37;
	v38 =	vadd.s32 v10, v38;
	v13 =	vor.u32 v13, v27;
	v26 =	vld [tilespmem:s20+$0x6500]  }
0x84: {  	s4 =	sshll.u32 s5, $0x7;
	s18 =	sshll.u32 s19, $0x7;
	v39 =	vadd.s32 v10, v39;
	v14 =	vadd.s32 s22, v9;
	v9 =	vadd.s32 s11, v9;
	[dreg:$0x16] =	wrdreg s23  }
0x85: {  	s24 =	sshll.u32 s21, $0x7;
	s25 =	sshll.u32 s16, $0x7;
	s1 =	sshll.u32 s1, $0x7;
	v15 =	vor.u32 v15, v28;
	v16 =	vor.u32 v16, v29;
	v17 =	vor.u32 v17, v30;
	v12 =	vld.idx.msk [tilespmem:v12+s13+$0x0], $0xffff  }
0x86: {  	s31 =	sshll.u32 s12, $0x7;
	v27 =	vmov s20;
	v29 =	vor.u32 v22, v36;
	v30 =	vor.u32 v23, v37;
	[dreg:$0x19] =	wrdreg s1;
	s1 =	sand.u32 $0x10, s30  }
0x87: {  	s28 =	sshll.u32 s8, $0x7;
	v23 =	vor.u32 v24, v38;
	v31 =	vand.u32 $0xFFFFFF80, v14;
	v40 =	vand.u32 $0xFFFFFF80, v9;
	v11 =	vld.idx.msk [tilespmem:v11+s13+$0x0], $0xffff;
	[dreg:$0x1a] =	wrdreg s25;
	s16 =	sor.u32 $0xF, s1  }
0x88: {  	s26 =	sshll.u32 s6, $0x7;
	s29 =	sshll.u32 s9, $0x7;
	v9 =	vand.u32 $0x7F, v9;
	v28 =	vld.idx.msk [tilespmem:v13+s13+$0x0], $0xffff;
	v13 =	vshll.u32 v27, $0x7;
	v27 =	vadd.s32 s16, v26;
	[dreg:$0x1c] =	wrdreg s28  }
0x89: {  	s4 =	sor.u32 s0, s4;
	s5 =	sor.u32 s0, s26;
	v31 =	vadd.s32 v10, v31;
	[dreg:$0x1d] =	wrdreg s29;
	v22 =	vor.u32 v8, v13;
	v13 =	vand.u32 $0xFFFFFF80, v27  }
0x8a: {  	s2 =	sor.u32 s0, s18;
	s3 =	sor.u32 s0, s24;
	s17 =	sshll.u32 s17, $0x7;
	v10 =	vadd.s32 v10, v40;
	[tilespmem:s5+$0xE600] =	vst v12;
	v12 =	vand.u32 $0x7F, v27;
	v27 =	vadd.s32 v22, v13  }
0x8b: {  	s19 =	sshll.u32 s10, $0x7;
	s6 =	sshll.u32 s11, $0x7;
	s17 =	sor.u32 s0, s17;
	v14 =	vand.u32 $0x7F, v14;
	v24 =	vor.u32 v12, v27;
	v12 =	vor.u32 v9, v10;
	v9 =	vld.idx.msk [tilespmem:v15+s13+$0x0], $0xffff  }
0x8c: {  	s22 =	sshll.u32 s22, $0x7;
	s23 =	sshll.u32 s15, $0x7;
	s11 =	sor.u32 s0, s19;
	v14 =	vor.u32 v14, v31  }
0x8d: {  	v18 =	vand.u32 $0x7F, v18;
	v19 =	vand.u32 $0x7F, v19;
	v20 =	vand.u32 $0x7F, v20;
	s23 =	sor.u32 s0, s23;
	s9 =	sor.u32 $0x1, s1;
	s14 =	sor.u32 $0x2, s1  }
0x8e: {  	v21 =	vand.u32 $0x7F, v21;
	v25 =	vand.u32 $0x7F, v25;
	v18 =	vor.u32 v18, v32;
	s25 =	sor.u32 $0x3, s1;
	s18 =	sor.u32 $0x5, s1;
	s15 =	sor.u32 $0x6, s1;
	[tilespmem:s4+$0xE600] =	vst v11;
	v10 =	vld.idx.msk [tilespmem:v16+s13+$0x0], $0xffff  }
0x8f: {  	v19 =	vor.u32 v19, v33;
	v20 =	vor.u32 v20, v34;
	v31 =	vadd.s32 s1, v26;
	s26 =	sor.u32 $0x7, s1;
	s12 =	sor.u32 $0x9, s1;
	s8 =	sor.u32 $0xB, s1;
	v11 =	vld.idx.msk [tilespmem:v17+s13+$0x0], $0xffff;
	[tilespmem:s2+$0xE600] =	vst v28  }
0x90: {  	s10 =	sor.u32 $0xC, s1;
	s21 =	sor.u32 $0xD, s1;
	s24 =	sor.u32 $0xE, s1;
	v32 =	vadd.s32 s9, v26;
	v34 =	vadd.s32 s25, v26;
	v57 =	vadd.s32 s18, v26;
	[tilespmem:s3+$0xE600] =	vst v9  }
0x91: {  	s28 =	sor.u32 $0x4, s1;
	v58 =	vadd.s32 s15, v26;
	v59 =	vadd.s32 s26, v26;
	s29 =	sor.u32 $0x8, s1;
	v42 =	vadd.s32 s12, v26;
	v14 =	vld.idx.msk [tilespmem:v14+s13+$0x0], $0xffff;
	s2 =	rddreg [dreg:$0x16]  }
0x92: {  	v44 =	vadd.s32 s8, v26;
	v45 =	vadd.s32 s10, v26;
	v46 =	vadd.s32 s21, v26;
	s19 =	sshll.u32 s16, $0x7;
	s4 =	rddreg [dreg:$0x19];
	s2 =	sor.u32 s0, s2  }
0x93: {  	v21 =	vor.u32 v21, v35;
	v35 =	vadd.s32 s28, v26;
	v60 =	vadd.s32 s29, v26;
	s19 =	sor.u32 s20, s19;
	s5 =	sshll.u32 s7, $0x7;
	v15 =	vld.idx.msk [tilespmem:v24+s13+$0x0], $0xffff;
	s3 =	sor.u32 s0, s4;
	[tilespmem:s2+$0xE600] =	vst v10  }
0x94: {  	v61 =	vand.u32 $0xFFFFFF80, v58;
	v62 =	vand.u32 $0xFFFFFF80, v59;
	v47 =	vand.u32 $0xFFFFFF80, v42;
	s7 =	sor.u32 $0xA, s1;
	s1 =	sshll.u32 s1, $0x7;
	v16 =	vld.idx.msk [tilespmem:v18+s13+$0x0], $0xffff;
	s2 =	rddreg [dreg:$0x1a];
	[tilespmem:s3+$0xE600] =	vst v11  }
0x95: {  	v49 =	vand.u32 $0xFFFFFF80, v44;
	v50 =	vand.u32 $0xFFFFFF80, v45;
	v43 =	vadd.s32 s7, v26;
	s7 =	sshll.u32 s7, $0x7;
	s4 =	sor.u32 s0, s22;
	[dreg:$0x1b] =	wrdreg s11  }
0x96: {  	v51 =	vand.u32 $0xFFFFFF80, v46;
	v36 =	vand.u32 $0x7F, v59;
	v9 =	vadd.s32 s24, v26;
	s24 =	sshll.u32 s24, $0x7;
	s22 =	sor.u32 s0, s31;
	s3 =	sor.u32 s0, s5;
	[tilespmem:s4+$0xE600] =	vst v14  }
0x97: {  	v37 =	vand.u32 $0x7F, v42;
	v38 =	vand.u32 $0x7F, v44;
	v28 =	vadd.s32 s14, v26;
	s5 =	sshll.u32 s14, $0x7;
	s14 =	sshll.u32 s28, $0x7;
	v52 =	vld.idx.msk [tilespmem:v19+s13+$0x0], $0xffff;
	s4 =	rddreg [dreg:$0x1c]  }
0x98: {  	v41 =	vand.u32 $0xFFFFFF80, v60;
	v40 =	vand.u32 $0x7F, v60;
	v13 =	vor.u32 v25, v39;
	s28 =	sshll.u32 s12, $0x7;
	s2 =	sor.u32 s0, s2;
	v54 =	vld.idx.msk [tilespmem:v20+s13+$0x0], $0xffff;
	s16 =	rddreg [dreg:$0x1d];
	[tilespmem:s19+$0xE600] =	vst v15  }
0x99: {  	v25 =	vand.u32 $0xFFFFFF80, v34;
	v34 =	vand.u32 $0x7F, v34;
	v39 =	vand.u32 $0x7F, v58;
	s12 =	sor.u32 s20, s14;
	v55 =	vld.idx.msk [tilespmem:v21+s13+$0x0], $0xffff;
	[tilespmem:s2+$0xE600] =	vst v16;
	s19 =	sshll.u32 s10, $0x7;
	s2 =	sshll.u32 s21, $0x7  }
0x9a: {  	v17 =	vand.u32 $0xFFFFFF80, v31;
	v18 =	vand.u32 $0xFFFFFF80, v32;
	v27 =	vand.u32 $0xFFFFFF80, v57;
	s21 =	sor.u32 s20, s5;
	s31 =	sor.u32 s0, s4;
	[dreg:$0x1e] =	wrdreg s1  }
0x9b: {  	v31 =	vand.u32 $0x7F, v31;
	v32 =	vand.u32 $0x7F, v32;
	v48 =	vand.u32 $0xFFFFFF80, v43;
	s11 =	sor.u32 s0, s16;
	s0 =	sor.u32 s0, s6;
	v29 =	vld.idx.msk [tilespmem:v29+s13+$0x0], $0xffff;
	[dreg:$0x1f] =	wrdreg s24  }
0x9c: {  	v27 =	vadd.s32 v22, v27;
	v33 =	vand.u32 $0x7F, v28;
	v24 =	vand.u32 $0xFFFFFF80, v28;
	s6 =	sshll.u32 s9, $0x7;
	s9 =	sshll.u32 s25, $0x7;
	s16 =	sshll.u32 s18, $0x7;
	[tilespmem:s17+$0xE600] =	vst v52  }
0x9d: {  	v26 =	vand.u32 $0xFFFFFF80, v35;
	v35 =	vand.u32 $0x7F, v35;
	v10 =	vadd.s32 v22, v17;
	s18 =	sshll.u32 s15, $0x7;
	s25 =	sshll.u32 s26, $0x7;
	s26 =	sshll.u32 s29, $0x7;
	[tilespmem:s22+$0xE600] =	vst v54  }
0x9e: {  	v53 =	vand.u32 $0xFFFFFF80, v9;
	v17 =	vadd.s32 v22, v51;
	v11 =	vadd.s32 v22, v18;
	s15 =	sshll.u32 s8, $0x7;
	s1 =	sor.u32 s20, s28;
	s4 =	sor.u32 s20, s7;
	v63 =	vld.idx.msk [tilespmem:v30+s13+$0x0], $0xffff;
	[tilespmem:s23+$0xE600] =	vst v55  }
0x9f: {  	v18 =	vadd.s32 v22, v48;
	v14 =	vadd.s32 v22, v24;
	v24 =	vadd.s32 v22, v61;
	s6 =	sor.u32 s20, s6;
	s8 =	sor.u32 s20, s26;
	s26 =	rddreg [dreg:$0x1b]  }
0xa0: {  	v19 =	vadd.s32 v22, v62;
	v20 =	vadd.s32 v22, v47;
	v21 =	vadd.s32 v22, v50;
	s10 =	sor.u32 s20, s16;
	s5 =	sor.u32 s20, s25;
	s16 =	sor.u32 s20, s19;
	[tilespmem:s26+$0xE600] =	vst v29  }
0xa1: {  	v15 =	vadd.s32 v22, v25;
	v16 =	vadd.s32 v22, v26;
	v25 =	vadd.s32 v22, v41;
	v28 =	vld.idx.msk [tilespmem:v23+s13+$0x0], $0xffff;
	s17 =	sor.u32 s20, s9;
	s22 =	sor.u32 s20, s18;
	s28 =	rddreg [dreg:$0x1e]  }
0xa2: {  	v26 =	vadd.s32 v22, v49;
	v22 =	vadd.s32 v22, v53;
	v41 =	vand.u32 $0x7F, v57;
	v30 =	vld.idx.msk [tilespmem:v12+s13+$0x0], $0xffff;
	s23 =	sor.u32 s20, s15;
	s15 =	sor.u32 s20, s2;
	s29 =	rddreg [dreg:$0x1f]  }
0xa3: {  	v23 =	vand.u32 $0x7F, v43;
	v12 =	vand.u32 $0x7F, v46;
	v29 =	vld.idx.msk [tilespmem:v13+s13+$0x0], $0xffff;
	v13 =	vand.u32 $0x7F, v45;
	[tilespmem:s31+$0xE600] =	vst v63;
	s24 =	sor.u32 s20, s28;
	s19 =	sor.u32 s20, s29;
	s20 =	simm.s32 $0x10  }
.LBB2_4:
0xa4: {  	_ =	sdelay $0x1  }
0xa5: {  	s9 =	sand.u32 $0x70, s20;
	v10 =	vor.u32 v31, v10;
	v11 =	vor.u32 v32, v11  }
0xa6: {  	v9 =	vand.u32 $0x7F, v9;
	v14 =	vor.u32 v33, v14;
	v15 =	vor.u32 v34, v15;
	[tilespmem:s11+$0xE600] =	vst v28;
	v28 =	vld [tilespmem:s9+$0x6500]  }
0xa7: {  	v16 =	vor.u32 v35, v16;
	v27 =	vor.u32 v41, v27;
	v24 =	vor.u32 v39, v24  }
0xa8: {  	[dreg:$0x8] =	wrdreg s5;
	s2 =	smov.u32 s16;
	v19 =	vor.u32 v36, v19;
	s30 =	sadd.s32 $0x10, s30;
	v25 =	vor.u32 v40, v25;
	v20 =	vor.u32 v37, v20  }
0xa9: {  	s5 =	smov.u32 s19;
	v18 =	vor.u32 v23, v18;
	[dreg:$0x4] =	wrdreg s2;
	s16 =	sand.u32 $0x10, s30;
	[tilespmem:s3+$0xE600] =	vst v29;
	v29 =	vor.u32 v12, v17;
	v12 =	vmov s9  }
0xaa: {  	v26 =	vor.u32 v38, v26;
	s7 =	simm.s32 $0x6600;
	[dreg:$0x9] =	wrdreg s5;
	s2 =	sor.u32 $0x1, s16;
	v17 =	vor.u32 v9, v22;
	v9 =	vshll.u32 v12, $0x7  }
0xab: {  	v21 =	vor.u32 v13, v21;
	s5 =	sor.u32 $0x2, s16;
	s3 =	smov.u32 s15;
	[tilespmem:s0+$0xE600] =	vst v30;
	s15 =	sor.u32 $0xF, s16;
	v10 =	vld.idx.msk [tilespmem:v10+s13+$0x0], $0xffff;
	v13 =	vor.u32 v8, v9;
	v12 =	vadd.s32 s16, v28  }
0xac: {  	s14 =	sor.u32 $0x3, s16;
	s18 =	sor.u32 $0x4, s16;
	s19 =	sor.u32 $0x5, s16;
	v11 =	vld.idx.msk [tilespmem:v11+s13+$0x0], $0xffff;
	v30 =	vadd.s32 s15, v28;
	v22 =	vadd.s32 s2, v28;
	v23 =	vadd.s32 s5, v28  }
0xad: {  	s25 =	sor.u32 $0x6, s16;
	s26 =	sor.u32 $0x7, s16;
	s28 =	sor.u32 $0x8, s16;
	v14 =	vld.idx.msk [tilespmem:v14+s13+$0x0], $0xffff;
	v34 =	vadd.s32 s14, v28;
	v35 =	vadd.s32 s18, v28;
	v36 =	vadd.s32 s19, v28  }
0xae: {  	s29 =	sor.u32 $0x9, s16;
	s11 =	sor.u32 $0xA, s16;
	s13 =	sor.u32 $0xB, s16;
	v15 =	vld.idx.msk [tilespmem:v15+s7+$0x0], $0xffff;
	v37 =	vadd.s32 s25, v28;
	v38 =	vadd.s32 s26, v28;
	v40 =	vadd.s32 s28, v28  }
0xaf: {  	s31 =	sor.u32 $0xD, s16;
	s0 =	sor.u32 $0xC, s16;
	v16 =	vld.idx.msk [tilespmem:v16+s7+$0x0], $0xffff;
	v42 =	vadd.s32 s29, v28;
	v43 =	vadd.s32 s11, v28;
	v44 =	vadd.s32 s13, v28  }
0xb0: {  	s20 =	sadd.s32 $0x8, s20;
	p1 =	slt.u32 s30, $0xF0;
	[dreg:$0x7] =	wrdreg s3;
	v31 =	vld.idx.msk [tilespmem:v24+s7+$0x0], $0xffff;
	v45 =	vadd.s32 s0, v28;
	v46 =	vadd.s32 s31, v28;
	v9 =	vand.u32 $0xFFFFFF80, v30  }
0xb1: {  	s3 =	sor.u32 $0xE, s16;
	v60 =	vld.idx.msk [tilespmem:v19+s7+$0x0], $0xffff;
	s2 =	sshll.u32 s2, $0x7;
	s5 =	sshll.u32 s5, $0x7;
	v30 =	vand.u32 $0x7F, v30;
	v19 =	vand.u32 $0xFFFFFF80, v12;
	v24 =	vand.u32 $0xFFFFFF80, v22  }
0xb2: {  	v61 =	vld.idx.msk [tilespmem:v25+s7+$0x0], $0xffff;
	s14 =	sshll.u32 s14, $0x7;
	s18 =	sshll.u32 s18, $0x7;
	s19 =	sshll.u32 s19, $0x7;
	v25 =	vand.u32 $0xFFFFFF80, v23;
	v62 =	vand.u32 $0xFFFFFF80, v34;
	v63 =	vand.u32 $0xFFFFFF80, v35  }
0xb3: {  	v27 =	vld.idx.msk [tilespmem:v27+s7+$0x0], $0xffff;
	s25 =	sshll.u32 s25, $0x7;
	s26 =	sshll.u32 s26, $0x7;
	s28 =	sshll.u32 s28, $0x7;
	[tilespmem:s24+$0xE600] =	vst v10;
	v47 =	vand.u32 $0xFFFFFF80, v36;
	v48 =	vand.u32 $0xFFFFFF80, v37;
	v49 =	vand.u32 $0xFFFFFF80, v38  }
0xb4: {  	v50 =	vld.idx.msk [tilespmem:v20+s7+$0x0], $0xffff;
	s29 =	sshll.u32 s29, $0x7;
	s11 =	sshll.u32 s11, $0x7;
	s13 =	sshll.u32 s13, $0x7;
	[tilespmem:s6+$0xE600] =	vst v11;
	v20 =	vand.u32 $0xFFFFFF80, v40;
	v51 =	vand.u32 $0xFFFFFF80, v42;
	v52 =	vand.u32 $0xFFFFFF80, v43  }
0xb5: {  	s0 =	sshll.u32 s0, $0x7;
	s31 =	sshll.u32 s31, $0x7;
	s24 =	sshll.u32 s16, $0x7;
	[tilespmem:s21+$0xE600] =	vst v14;
	v54 =	vand.u32 $0xFFFFFF80, v44;
	v55 =	vand.u32 $0xFFFFFF80, v45;
	v9 =	vadd.s32 v13, v9  }
0xb6: {  	s6 =	sor.u32 s9, s2;
	s14 =	sor.u32 s9, s14;
	s21 =	sor.u32 s9, s5;
	v56 =	vand.u32 $0xFFFFFF80, v46;
	[tilespmem:s22+$0xE600] =	vst v31;
	v31 =	vand.u32 $0x7F, v12;
	v30 =	vor.u32 v30, v9  }
0xb7: {  	s5 =	sor.u32 s9, s18;
	s18 =	sor.u32 s9, s19;
	s25 =	sor.u32 s9, s25;
	[tilespmem:s17+$0xE600] =	vst v15;
	v32 =	vand.u32 $0x7F, v22;
	v33 =	vand.u32 $0x7F, v23;
	v34 =	vand.u32 $0x7F, v34  }
0xb8: {  	v53 =	vld.idx.msk [tilespmem:v18+s7+$0x0], $0xffff;
	s26 =	sor.u32 s9, s26;
	s28 =	sor.u32 s9, s28;
	s29 =	sor.u32 s9, s29;
	[tilespmem:s12+$0xE600] =	vst v16;
	v35 =	vand.u32 $0x7F, v35;
	v41 =	vand.u32 $0x7F, v36;
	v39 =	vand.u32 $0x7F, v37  }
0xb9: {  	v57 =	vld.idx.msk [tilespmem:v26+s7+$0x0], $0xffff;
	s11 =	sor.u32 s9, s11;
	s2 =	sor.u32 s9, s13;
	s13 =	simm.s32 $0x6600;
	[tilespmem:s10+$0xE600] =	vst v27;
	v36 =	vand.u32 $0x7F, v38;
	v40 =	vand.u32 $0x7F, v40;
	v37 =	vand.u32 $0x7F, v42  }
0xba: {  	s16 =	sor.u32 s9, s0;
	s0 =	rddreg [dreg:$0x9];
	[tilespmem:s8+$0xE600] =	vst v61;
	v23 =	vand.u32 $0x7F, v43;
	v38 =	vand.u32 $0x7F, v44;
	v12 =	vand.u32 $0x7F, v46;
	s24 =	sor.u32 s9, s24  }
0xbb: {  	v10 =	vadd.s32 v13, v19;
	v11 =	vadd.s32 v13, v24;
	v14 =	vadd.s32 v13, v25;
	s12 =	smov.u32 s5;
	s10 =	smov.u32 s18;
	s22 =	smov.u32 s25;
	v30 =	vld.idx.msk [tilespmem:v30+s7+$0x0], $0xffff  }
.Ltmp0:
0xbc: {  	[tilespmem:s1+$0xE600] =	vst v50;
	v15 =	vadd.s32 v13, v62;
	v16 =	vadd.s32 v13, v63;
	v27 =	vadd.s32 v13, v47;
	s5 =	smov.u32 s26;
	s8 =	smov.u32 s28;
	(pc) =	sbr.rel @p1 .LBB2_4-.Ltmp0, $4  }
0xbd: {  	[tilespmem:s4+$0xE600] =	vst v53;
	v24 =	vadd.s32 v13, v48;
	v19 =	vadd.s32 v13, v49;
	v25 =	vadd.s32 v13, v20;
	s1 =	smov.u32 s29;
	s4 =	smov.u32 s11;
	s11 =	rddreg [dreg:$0x4]  }
0xbe: {  	[tilespmem:s23+$0xE600] =	vst v57;
	v29 =	vld.idx.msk [tilespmem:v29+s13+$0x0], $0xffff;
	v20 =	vadd.s32 v13, v51;
	v18 =	vadd.s32 v13, v52;
	v9 =	vadd.s32 s3, v28;
	s7 =	sshll.u32 s15, $0x7;
	s15 =	sor.u32 s9, s31;
	s31 =	rddreg [dreg:$0x8]  }
0xbf: {  	v26 =	vadd.s32 v13, v54;
	s23 =	smov.u32 s2;
	s3 =	sshll.u32 s3, $0x7;
	v28 =	vld.idx.msk [tilespmem:v21+s13+$0x0], $0xffff;
	v21 =	vadd.s32 v13, v55;
	v58 =	vand.u32 $0xFFFFFF80, v9;
	s17 =	sor.u32 s9, s7;
	[tilespmem:s31+$0xE600] =	vst v60  }
0xc0: {  	s19 =	sor.u32 s9, s3;
	s3 =	rddreg [dreg:$0x7];
	v22 =	vadd.s32 v13, v58;
	[tilespmem:s17+$0xE600] =	vst v30;
	s17 =	smov.u32 s14;
	v30 =	vld.idx.msk [tilespmem:v17+s13+$0x0], $0xffff;
	v17 =	vadd.s32 v13, v56;
	v13 =	vand.u32 $0x7F, v45  }
0xc1: {  	v10 =	vor.u32 v31, v10  }
0xc2: {  	v11 =	vor.u32 v32, v11  }
0xc3: {  	v14 =	vor.u32 v33, v14  }
0xc4: {  	v15 =	vor.u32 v34, v15  }
0xc5: {  	v16 =	vor.u32 v35, v16  }
0xc6: {  	v27 =	vor.u32 v41, v27;
	v10 =	vld.idx.msk [tilespmem:v10+s13+$0x0], $0xffff  }
0xc7: {  	v24 =	vor.u32 v39, v24;
	v11 =	vld.idx.msk [tilespmem:v11+s13+$0x0], $0xffff  }
0xc8: {  	v19 =	vor.u32 v36, v19;
	[tilespmem:s3+$0xE600] =	vst v29;
	v14 =	vld.idx.msk [tilespmem:v14+s13+$0x0], $0xffff  }
0xc9: {  	v25 =	vor.u32 v40, v25;
	[tilespmem:s11+$0xE600] =	vst v28;
	v15 =	vld.idx.msk [tilespmem:v15+s13+$0x0], $0xffff  }
0xca: {  	v20 =	vor.u32 v37, v20;
	[tilespmem:s0+$0xE600] =	vst v30;
	v16 =	vld.idx.msk [tilespmem:v16+s13+$0x0], $0xffff  }
0xcb: {  	v18 =	vor.u32 v23, v18;
	v59 =	vld.idx.msk [tilespmem:v27+s13+$0x0], $0xffff;
	[tilespmem:s24+$0xE600] =	vst v10  }
0xcc: {  	v12 =	vor.u32 v12, v17;
	v24 =	vld.idx.msk [tilespmem:v24+s13+$0x0], $0xffff;
	[tilespmem:s6+$0xE600] =	vst v11  }
0xcd: {  	v60 =	vld.idx.msk [tilespmem:v19+s13+$0x0], $0xffff;
	v10 =	vor.u32 v38, v26;
	[tilespmem:s21+$0xE600] =	vst v14  }
0xce: {  	v61 =	vld.idx.msk [tilespmem:v25+s13+$0x0], $0xffff;
	v11 =	vor.u32 v13, v21;
	[tilespmem:s17+$0xE600] =	vst v15  }
0xcf: {  	v62 =	vld.idx.msk [tilespmem:v20+s13+$0x0], $0xffff;
	[tilespmem:s12+$0xE600] =	vst v16  }
0xd0: {  	v63 =	vld.idx.msk [tilespmem:v18+s13+$0x0], $0xffff;
	[tilespmem:s10+$0xE600] =	vst v59  }
0xd1: {  	v9 =	vand.u32 $0x7F, v9;
	v12 =	vld.idx.msk [tilespmem:v12+s13+$0x0], $0xffff;
	[tilespmem:s22+$0xE600] =	vst v24  }
0xd2: {  	v9 =	vor.u32 v9, v22;
	[tilespmem:s5+$0xE600] =	vst v60;
	v10 =	vld.idx.msk [tilespmem:v10+s13+$0x0], $0xffff  }
0xd3: {  	[tilespmem:s8+$0xE600] =	vst v61;
	v11 =	vld.idx.msk [tilespmem:v11+s13+$0x0], $0xffff  }
0xd4: {  	[tilespmem:s1+$0xE600] =	vst v62  }
0xd5: {  	[tilespmem:s4+$0xE600] =	vst v63  }
0xd6: {  	[tilespmem:s15+$0xE600] =	vst v12  }
0xd7: {  	v9 =	vld.idx.msk [tilespmem:v9+s13+$0x0], $0xffff;
	[tilespmem:s23+$0xE600] =	vst v10  }
0xd8: {  	[tilespmem:s16+$0xE600] =	vst v11  }
0xd9: {  	s4 =	rddreg [dreg:$0x12]  }
0xda: {  	p1 =	sne.s32 s4, $0x63  }
.Ltmp1:
0xdb: {  	_ = 	snop;
	(pc) =	sbr.rel @p1 .LBB2_7-.Ltmp1, $4  }
0xdc: {  	[tilespmem:s19+$0xE600] =	vst v9  }
0xdd: {  	s30 =	simm.s32 $0x400;
	s29 =	sshll.u32 s4, $0x11;
	s1 =	rddreg [dreg:$0x11]  }
0xde: {  	s2 =	simm.s32 $0x20000;
	s31 =	simm.s32 $0xE600;
	s0 =	sadd.s32 s29, s1  }
0xdf: {  	[hbm4b:s0+s30] =	stream.strided.scatter [tilespmem:s31], [sflag:$0x3], $0x1000, s2, s30, $0x38;
	[tilespmem:$0x10600] =	vst v63  }
.Ltmp2:
0xe0: {  	(pc) =	sbr.rel .LBB2_8-.Ltmp2, $4  }
0xe1: {  	s0 =	simm.s32 $0x2  }
0xe2: {  	_ =	swait.ge [sflag:s0], $0x4000  }
0xe3: {  	[sflag:s0] =	ssyncset.done $0x0  }
0xe4: {  	[sflag:s0] =	ssyncadd.s32 $0xFFFFC000  }
.LBB2_7:
0xe5: {  	s2 =	rddreg [dreg:$0x14]  }
0xe6: {  	s0 =	sadd.s32 $0x2, s2  }
0xe7: {  	v9 =	vadd.s32 s0, v0;
	_ =	sdelay $0x3  }
0xe8: {  	s1 =	simm.s32 $0x0  }
0xe9: {  	v9 =	vld.idx.msk [tilespmem:v9+s1+$0x0], $0xffff;
	_ =	sdelay $0x1  }
0xea: {  	s20 =	sadd.s32 $0xC82, s2  }
0xeb: {  	v10 =	vadd.s32 s20, v0;
	_ =	sdelay $0x1  }
0xec: {  	v11 =	vshra.s32 v9, $0x2;
	v9 =	vshll.u32 v9, $0x5  }
0xed: {  	[tilespmem:$0x6400] =	vst v11;
	v9 =	vand.u32 $0x60, v9  }
0xee: {  	[tilespmem:$0x6500] =	vst v9  }
0xef: {  	v9 =	vld.idx.msk [tilespmem:v10+s1+$0x0], $0xffff;
	_ =	sdelay $0x1  }
0xf0: {  	s21 =	sadd.s32 $0x1902, s2  }
0xf1: {  	v10 =	vadd.s32 s21, v0;
	_ =	sdelay $0x1  }
0xf2: {  	v11 =	vshra.s32 v9, $0x2;
	v9 =	vshll.u32 v9, $0x5  }
0xf3: {  	[tilespmem:$0x6410] =	vst v11;
	v9 =	vand.u32 $0x60, v9  }
0xf4: {  	[tilespmem:$0x6510] =	vst v9  }
0xf5: {  	v9 =	vld.idx.msk [tilespmem:v10+s1+$0x0], $0xffff;
	_ =	sdelay $0x1  }
0xf6: {  	s22 =	sadd.s32 $0x2582, s2  }
0xf7: {  	v10 =	vadd.s32 s22, v0;
	_ =	sdelay $0x1  }
0xf8: {  	v11 =	vshra.s32 v9, $0x2;
	v9 =	vshll.u32 v9, $0x5  }
0xf9: {  	[tilespmem:$0x6420] =	vst v11;
	v9 =	vand.u32 $0x60, v9  }
0xfa: {  	[tilespmem:$0x6520] =	vst v9  }
0xfb: {  	v9 =	vld.idx.msk [tilespmem:v10+s1+$0x0], $0xffff;
	_ =	sdelay $0x1  }
0xfc: {  	s23 =	sadd.s32 $0x3202, s2  }
0xfd: {  	v10 =	vadd.s32 s23, v0;
	_ =	sdelay $0x1  }
0xfe: {  	v11 =	vshra.s32 v9, $0x2;
	v9 =	vshll.u32 v9, $0x5  }
0xff: {  	[tilespmem:$0x6430] =	vst v11;
	v9 =	vand.u32 $0x60, v9  }
0x100: {  	[tilespmem:$0x6530] =	vst v9  }
0x101: {  	v9 =	vld.idx.msk [tilespmem:v10+s1+$0x0], $0xffff;
	_ =	sdelay $0x1  }
0x102: {  	s24 =	sadd.s32 $0x3E82, s2  }
0x103: {  	v10 =	vadd.s32 s24, v0;
	_ =	sdelay $0x1  }
0x104: {  	v11 =	vshra.s32 v9, $0x2;
	v9 =	vshll.u32 v9, $0x5  }
0x105: {  	[tilespmem:$0x6440] =	vst v11;
	v9 =	vand.u32 $0x60, v9  }
0x106: {  	[tilespmem:$0x6540] =	vst v9  }
0x107: {  	v9 =	vld.idx.msk [tilespmem:v10+s1+$0x0], $0xffff;
	_ =	sdelay $0x1  }
0x108: {  	s25 =	sadd.s32 $0x4B02, s2  }
0x109: {  	v10 =	vadd.s32 s25, v0;
	_ =	sdelay $0x1  }
0x10a: {  	v11 =	vshra.s32 v9, $0x2;
	v9 =	vshll.u32 v9, $0x5  }
0x10b: {  	[tilespmem:$0x6450] =	vst v11;
	v9 =	vand.u32 $0x60, v9  }
0x10c: {  	[tilespmem:$0x6550] =	vst v9  }
0x10d: {  	v9 =	vld.idx.msk [tilespmem:v10+s1+$0x0], $0xffff;
	_ =	sdelay $0x1  }
0x10e: {  	s26 =	sadd.s32 $0x5782, s2  }
0x10f: {  	v10 =	vadd.s32 s26, v0;
	_ =	sdelay $0x1  }
0x110: {  	v11 =	vshra.s32 v9, $0x2;
	v9 =	vshll.u32 v9, $0x5  }
0x111: {  	[tilespmem:$0x6460] =	vst v11;
	v9 =	vand.u32 $0x60, v9  }
0x112: {  	[tilespmem:$0x6560] =	vst v9  }
0x113: {  	v9 =	vld.idx.msk [tilespmem:v10+s1+$0x0], $0xffff;
	_ =	sdelay $0x4  }
0x114: {  	v10 =	vshra.s32 v9, $0x2;
	v9 =	vshll.u32 v9, $0x5  }
0x115: {  	s28 =	rddreg [dreg:$0xc];
	s29 =	simm.s32 $0x80;
	[tilespmem:$0x6470] =	vst v10;
	v9 =	vand.u32 $0x60, v9  }
.Ltmp3:
0x116: {  	s30 =	simm.s32 $0x6400;
	s31 =	simm.s32 $0x2;
	[tilespmem:$0x6570] =	vst v9;
	(pc) =	sbr.rel @p0 .LBB2_9-.Ltmp3, $4  }
0x117: {  	[tilespmem:s13], [sflag:$0x1] =	stream.indirect.gather [hbm4b:s28+s29], $0x80, s30, s29, $0xb8;
	[tilespmem:$0x10600] =	vst v63  }
0x118: {  	_ =	swait.ge [sflag:s31], $0x4000  }
0x119: {  	[sflag:s31] =	ssyncset.done $0x0  }
0x11a: {  	[sflag:s31] =	ssyncadd.s32 $0xFFFFC000  }
.LBB2_8:
0x11b: {  	s0 =	simm.s32 $0x4  }
0x11c: {  	_ =	swait.ge [sflag:s0], $0x1000  }
0x11d: {  	[sflag:s0] =	ssyncset.done $0x0  }
0x11e: {  	[sflag:s0] =	ssyncadd.s32 $0xFFFFF000  }
.LBB2_9:
0x11f: {  	s0 =	simm.s32 $0x0  }
0x120: {  	s1 =	sand.u32 $0x70, s0  }
0x121: {  	v9 =	vld [tilespmem:s1+$0x6580];
	_ =	sdelay $0x1  }
0x122: {  	s17 =	simm.s32 $0x0;
	v10 =	vmov s1  }
0x123: {  	s3 =	sand.u32 $0x10, s17;
	v10 =	vshll.u32 v10, $0x7  }
0x124: {  	s17 =	sor.u32 $0x1, s3;
	s6 =	sor.u32 $0xF, s3;
	v10 =	vor.u32 v8, v10  }
0x125: {  	s19 =	sor.u32 $0x2, s3;
	s23 =	sor.u32 $0x3, s3;
	s4 =	sor.u32 $0x4, s3;
	v11 =	vadd.s32 s3, v9;
	v12 =	vadd.s32 s6, v9;
	v13 =	vadd.s32 s17, v9  }
0x126: {  	s15 =	sor.u32 $0x6, s3;
	s21 =	sor.u32 $0x7, s3;
	s10 =	sor.u32 $0x8, s3;
	v15 =	vadd.s32 s19, v9;
	v16 =	vadd.s32 s23, v9;
	v17 =	vadd.s32 s4, v9  }
0x127: {  	s5 =	sor.u32 $0x9, s3;
	s16 =	sor.u32 $0xA, s3;
	s8 =	sor.u32 $0xB, s3;
	v18 =	vadd.s32 s15, v9;
	v19 =	vadd.s32 s21, v9;
	v20 =	vadd.s32 s10, v9  }
0x128: {  	s9 =	sor.u32 $0xC, s3;
	s11 =	sor.u32 $0xD, s3;
	v21 =	vadd.s32 s5, v9;
	v22 =	vadd.s32 s16, v9;
	v23 =	vadd.s32 s8, v9  }
0x129: {  	v24 =	vadd.s32 s9, v9;
	v25 =	vadd.s32 s11, v9;
	v14 =	vand.u32 $0xFFFFFF80, v12  }
0x12a: {  	v12 =	vand.u32 $0x7F, v12;
	v26 =	vand.u32 $0xFFFFFF80, v11;
	v27 =	vand.u32 $0xFFFFFF80, v13  }
0x12b: {  	v28 =	vand.u32 $0xFFFFFF80, v15;
	v29 =	vand.u32 $0xFFFFFF80, v16;
	v30 =	vand.u32 $0xFFFFFF80, v17  }
0x12c: {  	v32 =	vand.u32 $0xFFFFFF80, v18;
	v33 =	vand.u32 $0xFFFFFF80, v19;
	v34 =	vand.u32 $0xFFFFFF80, v20  }
0x12d: {  	v35 =	vand.u32 $0xFFFFFF80, v21;
	v36 =	vand.u32 $0xFFFFFF80, v22;
	v37 =	vand.u32 $0xFFFFFF80, v23  }
0x12e: {  	v38 =	vand.u32 $0xFFFFFF80, v24;
	v39 =	vand.u32 $0xFFFFFF80, v25;
	v11 =	vand.u32 $0x7F, v11  }
0x12f: {  	v13 =	vand.u32 $0x7F, v13;
	v15 =	vand.u32 $0x7F, v15;
	v16 =	vand.u32 $0x7F, v16  }
0x130: {  	v17 =	vand.u32 $0x7F, v17;
	v18 =	vand.u32 $0x7F, v18;
	v19 =	vand.u32 $0x7F, v19  }
0x131: {  	v20 =	vand.u32 $0x7F, v20;
	v21 =	vand.u32 $0x7F, v21;
	v22 =	vand.u32 $0x7F, v22  }
0x132: {  	v24 =	vand.u32 $0x7F, v24;
	v25 =	vand.u32 $0x7F, v25;
	v14 =	vadd.s32 v10, v14  }
0x133: {  	v26 =	vadd.s32 v10, v26;
	v27 =	vadd.s32 v10, v27;
	v28 =	vadd.s32 v10, v28  }
0x134: {  	v29 =	vadd.s32 v10, v29;
	v30 =	vadd.s32 v10, v30;
	v32 =	vadd.s32 v10, v32  }
0x135: {  	v33 =	vadd.s32 v10, v33;
	v34 =	vadd.s32 v10, v34;
	v35 =	vadd.s32 v10, v35  }
0x136: {  	s2 =	simm.s32 $0x8;
	s29 =	simm.s32 $0x10;
	v36 =	vadd.s32 v10, v36;
	v37 =	vadd.s32 v10, v37;
	v12 =	vor.u32 v12, v14  }
0x137: {  	s20 =	sand.u32 $0x70, s2;
	s22 =	sor.u32 $0x5, s3;
	s0 =	sor.u32 $0xE, s3;
	v38 =	vadd.s32 v10, v38;
	v39 =	vadd.s32 v10, v39;
	v11 =	vor.u32 v11, v26  }
0x138: {  	s7 =	simm.s32 $0xA600;
	s31 =	sshll.u32 s3, $0x7;
	s18 =	sshll.u32 s17, $0x7;
	v14 =	vadd.s32 s22, v9;
	v9 =	vadd.s32 s0, v9;
	v13 =	vor.u32 v13, v27;
	v26 =	vld [tilespmem:s20+$0x6580]  }
0x139: {  	s24 =	sshll.u32 s19, $0x7;
	s13 =	sshll.u32 s23, $0x7;
	s30 =	sshll.u32 s10, $0x7;
	v27 =	vand.u32 $0x7F, v23;
	v15 =	vor.u32 v15, v28;
	v16 =	vor.u32 v16, v29  }
0x13a: {  	s25 =	sshll.u32 s8, $0x7;
	s26 =	sshll.u32 s9, $0x7;
	s28 =	sshll.u32 s6, $0x7;
	v28 =	vor.u32 v17, v30;
	v18 =	vor.u32 v18, v32;
	v29 =	vor.u32 v19, v33  }
0x13b: {  	s2 =	sor.u32 s1, s18;
	s19 =	sshll.u32 s4, $0x7;
	s4 =	sand.u32 $0x10, s29;
	v20 =	vor.u32 v20, v34;
	v17 =	vmov s20;
	v31 =	vand.u32 $0xFFFFFF80, v14;
	v12 =	vld.idx.msk [tilespmem:v12+s7+$0x0], $0xffff  }
0x13c: {  	s23 =	sshll.u32 s15, $0x7;
	s21 =	sshll.u32 s21, $0x7;
	s12 =	sor.u32 $0xF, s4;
	v40 =	vand.u32 $0xFFFFFF80, v9;
	v14 =	vand.u32 $0x7F, v14;
	v31 =	vadd.s32 v10, v31;
	v11 =	vld.idx.msk [tilespmem:v11+s7+$0x0], $0xffff  }
0x13d: {  	s17 =	sshll.u32 s5, $0x7;
	s16 =	sshll.u32 s16, $0x7;
	v17 =	vshll.u32 v17, $0x7;
	v14 =	vor.u32 v14, v31;
	v19 =	vadd.s32 s12, v26;
	v13 =	vld.idx.msk [tilespmem:v13+s7+$0x0], $0xffff;
	[dreg:$0x17] =	wrdreg s25  }
0x13e: {  	s3 =	sshll.u32 s11, $0x7;
	s5 =	sor.u32 s1, s28;
	v9 =	vand.u32 $0x7F, v9;
	v23 =	vor.u32 v8, v17;
	[dreg:$0x18] =	wrdreg s26;
	v17 =	vand.u32 $0xFFFFFF80, v19  }
0x13f: {  	s6 =	sor.u32 s1, s31;
	s11 =	sshll.u32 s0, $0x7;
	s9 =	sor.u32 $0x1, s4;
	v10 =	vadd.s32 v10, v40;
	v30 =	vand.u32 $0x7F, v19;
	v15 =	vld.idx.msk [tilespmem:v15+s7+$0x0], $0xffff;
	v17 =	vadd.s32 v23, v17  }
0x140: {  	s10 =	sor.u32 $0x2, s4;
	s31 =	sor.u32 $0x3, s4;
	s15 =	sor.u32 $0x4, s4;
	v19 =	vor.u32 v24, v38;
	v24 =	vor.u32 v30, v17;
	v17 =	vor.u32 v9, v10;
	v10 =	vld.idx.msk [tilespmem:v16+s7+$0x0], $0xffff  }
0x141: {  	s14 =	sor.u32 $0x5, s4;
	s28 =	sor.u32 $0x7, s4;
	s8 =	sor.u32 $0x8, s4;
	v21 =	vor.u32 v21, v35;
	v22 =	vor.u32 v22, v36;
	v31 =	vadd.s32 s4, v26;
	[tilespmem:s6+$0xF600] =	vst v11;
	v11 =	vld.idx.msk [tilespmem:v28+s7+$0x0], $0xffff  }
0x142: {  	s18 =	sor.u32 $0xD, s4;
	s23 =	sor.u32 s1, s23;
	s21 =	sor.u32 s1, s21;
	v27 =	vor.u32 v27, v37;
	v34 =	vadd.s32 s10, v26;
	v35 =	vadd.s32 s31, v26;
	[tilespmem:s2+$0xF600] =	vst v13;
	v13 =	vld.idx.msk [tilespmem:v14+s7+$0x0], $0xffff  }
0x143: {  	s16 =	sor.u32 s1, s16;
	s0 =	sor.u32 s1, s24;
	s25 =	sor.u32 $0x6, s4;
	v36 =	vadd.s32 s15, v26;
	v57 =	vadd.s32 s14, v26;
	v59 =	vadd.s32 s28, v26;
	[tilespmem:s5+$0xF600] =	vst v12  }
0x144: {  	s3 =	sor.u32 s1, s3;
	s26 =	sor.u32 $0x9, s4;
	v42 =	vadd.s32 s8, v26;
	v47 =	vadd.s32 s18, v26;
	v58 =	vadd.s32 s25, v26;
	[tilespmem:s0+$0xF600] =	vst v15;
	s0 =	sor.u32 s1, s13  }
0x145: {  	s22 =	sshll.u32 s22, $0x7;
	s24 =	sor.u32 $0xE, s4;
	v43 =	vadd.s32 s26, v26;
	v61 =	vand.u32 $0xFFFFFF80, v59;
	v62 =	vand.u32 $0xFFFFFF80, v42;
	s13 =	sor.u32 s1, s19;
	[tilespmem:s0+$0xF600] =	vst v10  }
0x146: {  	s12 =	sshll.u32 s12, $0x7;
	s10 =	sshll.u32 s10, $0x7;
	v51 =	vand.u32 $0xFFFFFF80, v47;
	v32 =	vand.u32 $0x7F, v31;
	v40 =	vand.u32 $0x7F, v42;
	s19 =	sor.u32 s1, s22;
	[tilespmem:s13+$0xF600] =	vst v11  }
0x147: {  	s14 =	sshll.u32 s14, $0x7;
	s8 =	sshll.u32 s8, $0x7;
	s18 =	sshll.u32 s18, $0x7;
	v60 =	vand.u32 $0xFFFFFF80, v58;
	v41 =	vand.u32 $0xFFFFFF80, v43;
	v37 =	vand.u32 $0x7F, v43;
	[tilespmem:s19+$0xF600] =	vst v13  }
0x148: {  	s12 =	sor.u32 s20, s12;
	v30 =	vadd.s32 s9, v26;
	v16 =	vand.u32 $0xFFFFFF80, v31;
	v9 =	vadd.s32 s24, v26;
	s2 =	sor.u32 $0xA, s4;
	v15 =	vld.idx.msk [tilespmem:v18+s7+$0x0], $0xffff;
	s0 =	rddreg [dreg:$0x17]  }
0x149: {  	v52 =	vand.u32 $0xFFFFFF80, v9;
	v33 =	vand.u32 $0x7F, v30;
	v12 =	vor.u32 v25, v39;
	s5 =	sor.u32 $0xB, s4;
	v14 =	vld.idx.msk [tilespmem:v24+s7+$0x0], $0xffff;
	[dreg:$0x3] =	wrdreg s3;
	s0 =	sor.u32 s1, s0  }
0x14a: {  	s6 =	sor.u32 $0xC, s4;
	v25 =	vand.u32 $0xFFFFFF80, v35;
	v28 =	vand.u32 $0xFFFFFF80, v57;
	v39 =	vand.u32 $0x7F, v58;
	s3 =	simm.s32 $0xA600;
	[dreg:$0x15] =	wrdreg s0  }
0x14b: {  	s8 =	sor.u32 s20, s8;
	s9 =	sshll.u32 s9, $0x7;
	v44 =	vadd.s32 s2, v26;
	v45 =	vadd.s32 s5, v26;
	v46 =	vadd.s32 s6, v26;
	s22 =	sor.u32 s1, s30;
	v29 =	vld.idx.msk [tilespmem:v29+s3+$0x0], $0xffff  }
0x14c: {  	v18 =	vand.u32 $0xFFFFFF80, v30;
	v26 =	vand.u32 $0xFFFFFF80, v36;
	s30 =	sor.u32 s1, s11;
	s11 =	sshll.u32 s31, $0x7;
	s2 =	sshll.u32 s2, $0x7;
	v28 =	vadd.s32 v23, v28;
	v53 =	vld.idx.msk [tilespmem:v20+s3+$0x0], $0xffff  }
0x14d: {  	s5 =	sshll.u32 s5, $0x7;
	s31 =	sshll.u32 s24, $0x7;
	v48 =	vand.u32 $0xFFFFFF80, v44;
	v49 =	vand.u32 $0xFFFFFF80, v45;
	v50 =	vand.u32 $0xFFFFFF80, v46;
	s13 =	sor.u32 s1, s17;
	v54 =	vld.idx.msk [tilespmem:v21+s3+$0x0], $0xffff  }
0x14e: {  	v24 =	vand.u32 $0xFFFFFF80, v34;
	v10 =	vadd.s32 v23, v16;
	v16 =	vadd.s32 v23, v51;
	s19 =	sshll.u32 s28, $0x7;
	s17 =	sor.u32 s20, s11;
	s7 =	rddreg [dreg:$0x18];
	[tilespmem:s12+$0xF600] =	vst v14;
	v55 =	vld.idx.msk [tilespmem:v22+s3+$0x0], $0xffff  }
0x14f: {  	v11 =	vadd.s32 v23, v18;
	v13 =	vadd.s32 v23, v24;
	v24 =	vadd.s32 v23, v60;
	s0 =	sor.u32 s1, s7;
	[tilespmem:s23+$0xF600] =	vst v15;
	s12 =	sshll.u32 s15, $0x7;
	s15 =	sshll.u32 s25, $0x7  }
0x150: {  	v38 =	vand.u32 $0x7F, v45;
	v18 =	vadd.s32 v23, v48;
	v14 =	vadd.s32 v23, v25;
	s23 =	sshll.u32 s26, $0x7;
	s25 =	sshll.u32 s6, $0x7;
	s26 =	sshll.u32 s4, $0x7;
	v63 =	vld.idx.msk [tilespmem:v27+s3+$0x0], $0xffff;
	[tilespmem:s21+$0xF600] =	vst v29  }
0x151: {  	v15 =	vadd.s32 v23, v26;
	v20 =	vadd.s32 v23, v61;
	v25 =	vadd.s32 v23, v62;
	s6 =	sor.u32 s20, s9;
	s4 =	sor.u32 s20, s2;
	s12 =	sor.u32 s20, s12;
	[tilespmem:s22+$0xF600] =	vst v53  }
0x152: {  	v21 =	vadd.s32 v23, v41;
	v26 =	vadd.s32 v23, v49;
	v22 =	vadd.s32 v23, v50;
	s9 =	sor.u32 s20, s15;
	s1 =	sor.u32 s20, s23;
	s23 =	sor.u32 s20, s5;
	[tilespmem:s13+$0xF600] =	vst v54  }
0x153: {  	v23 =	vadd.s32 v23, v52;
	v27 =	vand.u32 $0x7F, v34;
	v34 =	vand.u32 $0x7F, v35;
	v30 =	vld.idx.msk [tilespmem:v12+s3+$0x0], $0xffff;
	s15 =	sor.u32 s20, s18;
	s24 =	sor.u32 s20, s26;
	s21 =	sor.u32 s20, s10;
	[tilespmem:s16+$0xF600] =	vst v55  }
0x154: {  	v35 =	vand.u32 $0x7F, v36;
	v41 =	vand.u32 $0x7F, v57;
	v36 =	vand.u32 $0x7F, v59;
	s22 =	sor.u32 s20, s19;
	v29 =	vld.idx.msk [tilespmem:v19+s3+$0x0], $0xffff;
	s19 =	sor.u32 s20, s31;
	s31 =	rddreg [dreg:$0x15]  }
0x155: {  	v31 =	vld.idx.msk [tilespmem:v17+s3+$0x0], $0xffff;
	v17 =	vand.u32 $0x7F, v46;
	v12 =	vand.u32 $0x7F, v47;
	s10 =	sor.u32 s20, s14;
	s16 =	sor.u32 s20, s25;
	v19 =	vand.u32 $0x7F, v44;
	s20 =	simm.s32 $0x10;
	[tilespmem:s31+$0xF600] =	vst v63  }
.LBB2_10:
0x156: {  	_ =	sdelay $0x1  }
0x157: {  	[dreg:$0x5] =	wrdreg s9;
	s9 =	sand.u32 $0x70, s20;
	v10 =	vor.u32 v32, v10;
	v11 =	vor.u32 v33, v11  }
0x158: {  	v9 =	vand.u32 $0x7F, v9;
	v13 =	vor.u32 v27, v13;
	v14 =	vor.u32 v34, v14;
	[tilespmem:s0+$0xF600] =	vst v29;
	v29 =	vld [tilespmem:s9+$0x6580]  }
0x159: {  	s18 =	smov.u32 s16;
	v15 =	vor.u32 v35, v15;
	s25 =	rddreg [dreg:$0x3];
	v28 =	vor.u32 v41, v28;
	v24 =	vor.u32 v39, v24  }
0x15a: {  	s26 =	smov.u32 s15;
	v20 =	vor.u32 v36, v20;
	v25 =	vor.u32 v40, v25;
	v21 =	vor.u32 v37, v21;
	[dreg:$0x6] =	wrdreg s18  }
0x15b: {  	s28 =	smov.u32 s19;
	s29 =	sadd.s32 $0x10, s29;
	v18 =	vor.u32 v19, v18;
	[dreg:$0x3] =	wrdreg s26;
	[tilespmem:s25+$0xF600] =	vst v30;
	v30 =	vor.u32 v12, v16;
	v12 =	vmov s9  }
0x15c: {  	v26 =	vor.u32 v38, v26;
	s7 =	simm.s32 $0xA600;
	[dreg:$0xa] =	wrdreg s28;
	s16 =	sand.u32 $0x10, s29;
	v16 =	vor.u32 v9, v23;
	v9 =	vshll.u32 v12, $0x7  }
0x15d: {  	v22 =	vor.u32 v17, v22;
	s2 =	sor.u32 $0x1, s16;
	s5 =	sor.u32 $0x2, s16;
	s15 =	sor.u32 $0xF, s16;
	[tilespmem:s30+$0xF600] =	vst v31;
	v10 =	vld.idx.msk [tilespmem:v10+s3+$0x0], $0xffff;
	v17 =	vor.u32 v8, v9;
	v12 =	vadd.s32 s16, v29  }
0x15e: {  	s11 =	sor.u32 $0x3, s16;
	s13 =	sor.u32 $0x4, s16;
	s14 =	sor.u32 $0x5, s16;
	v11 =	vld.idx.msk [tilespmem:v11+s3+$0x0], $0xffff;
	v23 =	vadd.s32 s15, v29;
	v19 =	vadd.s32 s2, v29;
	v27 =	vadd.s32 s5, v29  }
0x15f: {  	s18 =	sor.u32 $0x6, s16;
	s19 =	sor.u32 $0x7, s16;
	s25 =	sor.u32 $0x8, s16;
	v13 =	vld.idx.msk [tilespmem:v13+s3+$0x0], $0xffff;
	v34 =	vadd.s32 s11, v29;
	v35 =	vadd.s32 s13, v29;
	v36 =	vadd.s32 s14, v29  }
0x160: {  	s26 =	sor.u32 $0x9, s16;
	s28 =	sor.u32 $0xA, s16;
	s31 =	sor.u32 $0xB, s16;
	v14 =	vld.idx.msk [tilespmem:v14+s3+$0x0], $0xffff;
	v37 =	vadd.s32 s18, v29;
	v38 =	vadd.s32 s19, v29;
	v40 =	vadd.s32 s25, v29  }
0x161: {  	s0 =	sor.u32 $0xC, s16;
	s30 =	sor.u32 $0xD, s16;
	v15 =	vld.idx.msk [tilespmem:v15+s7+$0x0], $0xffff;
	v42 =	vadd.s32 s26, v29;
	v43 =	vadd.s32 s28, v29;
	v44 =	vadd.s32 s31, v29  }
0x162: {  	s20 =	sadd.s32 $0x8, s20;
	v60 =	vld.idx.msk [tilespmem:v24+s7+$0x0], $0xffff;
	v45 =	vadd.s32 s0, v29;
	v46 =	vadd.s32 s30, v29;
	v9 =	vand.u32 $0xFFFFFF80, v23  }
0x163: {  	p0 =	slt.u32 s29, $0xF0;
	s3 =	sor.u32 $0xE, s16;
	v61 =	vld.idx.msk [tilespmem:v20+s7+$0x0], $0xffff;
	s2 =	sshll.u32 s2, $0x7;
	v23 =	vand.u32 $0x7F, v23;
	v20 =	vand.u32 $0xFFFFFF80, v12;
	v24 =	vand.u32 $0xFFFFFF80, v19  }
0x164: {  	v62 =	vld.idx.msk [tilespmem:v25+s7+$0x0], $0xffff;
	s5 =	sshll.u32 s5, $0x7;
	s11 =	sshll.u32 s11, $0x7;
	s13 =	sshll.u32 s13, $0x7;
	v25 =	vand.u32 $0xFFFFFF80, v27;
	v31 =	vand.u32 $0xFFFFFF80, v34;
	v63 =	vand.u32 $0xFFFFFF80, v35  }
0x165: {  	v28 =	vld.idx.msk [tilespmem:v28+s7+$0x0], $0xffff;
	s14 =	sshll.u32 s14, $0x7;
	s18 =	sshll.u32 s18, $0x7;
	s19 =	sshll.u32 s19, $0x7;
	[tilespmem:s24+$0xF600] =	vst v10;
	v47 =	vand.u32 $0xFFFFFF80, v36;
	v48 =	vand.u32 $0xFFFFFF80, v37;
	v49 =	vand.u32 $0xFFFFFF80, v38  }
0x166: {  	v50 =	vld.idx.msk [tilespmem:v21+s7+$0x0], $0xffff;
	s25 =	sshll.u32 s25, $0x7;
	s26 =	sshll.u32 s26, $0x7;
	s28 =	sshll.u32 s28, $0x7;
	[tilespmem:s6+$0xF600] =	vst v11;
	v21 =	vand.u32 $0xFFFFFF80, v40;
	v51 =	vand.u32 $0xFFFFFF80, v42;
	v52 =	vand.u32 $0xFFFFFF80, v43  }
0x167: {  	s31 =	sshll.u32 s31, $0x7;
	s0 =	sshll.u32 s0, $0x7;
	s30 =	sshll.u32 s30, $0x7;
	[tilespmem:s21+$0xF600] =	vst v13;
	v54 =	vand.u32 $0xFFFFFF80, v44;
	v55 =	vand.u32 $0xFFFFFF80, v45;
	v9 =	vadd.s32 v17, v9  }
0x168: {  	s24 =	sshll.u32 s16, $0x7;
	s6 =	sor.u32 s9, s2;
	s11 =	sor.u32 s9, s11;
	[tilespmem:s17+$0xF600] =	vst v14;
	v56 =	vand.u32 $0xFFFFFF80, v46;
	v32 =	vand.u32 $0x7F, v12;
	v23 =	vor.u32 v23, v9  }
0x169: {  	s21 =	sor.u32 s9, s5;
	s5 =	sor.u32 s9, s13;
	s13 =	sor.u32 s9, s14;
	[tilespmem:s12+$0xF600] =	vst v15;
	v33 =	vand.u32 $0x7F, v19;
	v27 =	vand.u32 $0x7F, v27;
	v34 =	vand.u32 $0x7F, v34  }
0x16a: {  	v53 =	vld.idx.msk [tilespmem:v18+s7+$0x0], $0xffff;
	s14 =	sor.u32 s9, s18;
	s18 =	sor.u32 s9, s19;
	s25 =	sor.u32 s9, s25;
	[tilespmem:s10+$0xF600] =	vst v28;
	v35 =	vand.u32 $0x7F, v35;
	v41 =	vand.u32 $0x7F, v36;
	v39 =	vand.u32 $0x7F, v37  }
0x16b: {  	v57 =	vld.idx.msk [tilespmem:v26+s7+$0x0], $0xffff;
	s26 =	sor.u32 s9, s26;
	s28 =	sor.u32 s9, s28;
	s2 =	sor.u32 s9, s31;
	[tilespmem:s22+$0xF600] =	vst v61;
	v36 =	vand.u32 $0x7F, v38;
	v40 =	vand.u32 $0x7F, v40;
	v37 =	vand.u32 $0x7F, v42  }
0x16c: {  	s31 =	sshll.u32 s15, $0x7;
	s15 =	sor.u32 s9, s30;
	s30 =	rddreg [dreg:$0xa];
	[tilespmem:s8+$0xF600] =	vst v62;
	v19 =	vand.u32 $0x7F, v43;
	v38 =	vand.u32 $0x7F, v44;
	v12 =	vand.u32 $0x7F, v46  }
0x16d: {  	s16 =	sor.u32 s9, s0;
	s0 =	rddreg [dreg:$0x6];
	v10 =	vadd.s32 v17, v20;
	v11 =	vadd.s32 v17, v24;
	v13 =	vadd.s32 v17, v25;
	s17 =	sor.u32 s9, s31;
	v23 =	vld.idx.msk [tilespmem:v23+s7+$0x0], $0xffff  }
.Ltmp4:
0x16e: {  	[tilespmem:s1+$0xF600] =	vst v50;
	v14 =	vadd.s32 v17, v31;
	v15 =	vadd.s32 v17, v63;
	s24 =	sor.u32 s9, s24;
	v28 =	vadd.s32 v17, v47;
	s12 =	smov.u32 s5;
	(pc) =	sbr.rel @p0 .LBB2_10-.Ltmp4, $4  }
0x16f: {  	[tilespmem:s4+$0xF600] =	vst v53;
	v24 =	vadd.s32 v17, v48;
	v20 =	vadd.s32 v17, v49;
	v25 =	vadd.s32 v17, v21;
	s10 =	smov.u32 s13;
	s31 =	rddreg [dreg:$0x5];
	s22 =	smov.u32 s18  }
0x170: {  	v30 =	vld.idx.msk [tilespmem:v30+s7+$0x0], $0xffff;
	[tilespmem:s23+$0xF600] =	vst v57;
	v21 =	vadd.s32 v17, v51;
	v18 =	vadd.s32 v17, v52;
	s8 =	smov.u32 s25;
	s1 =	smov.u32 s26;
	v9 =	vadd.s32 s3, v29;
	s3 =	sshll.u32 s3, $0x7  }
0x171: {  	v26 =	vadd.s32 v17, v54;
	s4 =	smov.u32 s28;
	v29 =	vld.idx.msk [tilespmem:v22+s7+$0x0], $0xffff;
	v22 =	vadd.s32 v17, v55;
	[tilespmem:s31+$0xF600] =	vst v60;
	v58 =	vand.u32 $0xFFFFFF80, v9;
	s19 =	sor.u32 s9, s3;
	s3 =	simm.s32 $0xA600  }
0x172: {  	s23 =	smov.u32 s2;
	s9 =	smov.u32 s14;
	v31 =	vld.idx.msk [tilespmem:v16+s3+$0x0], $0xffff;
	v16 =	vadd.s32 v17, v56;
	[tilespmem:s17+$0xF600] =	vst v23;
	s17 =	smov.u32 s11;
	v23 =	vadd.s32 v17, v58;
	v17 =	vand.u32 $0x7F, v45  }
0x173: {  	v10 =	vor.u32 v32, v10  }
0x174: {  	v11 =	vor.u32 v33, v11  }
0x175: {  	v13 =	vor.u32 v27, v13  }
0x176: {  	v14 =	vor.u32 v34, v14  }
0x177: {  	v15 =	vor.u32 v35, v15  }
0x178: {  	v58 =	vor.u32 v41, v28;
	v10 =	vld.idx.msk [tilespmem:v10+s3+$0x0], $0xffff  }
0x179: {  	v24 =	vor.u32 v39, v24;
	v11 =	vld.idx.msk [tilespmem:v11+s3+$0x0], $0xffff  }
0x17a: {  	v20 =	vor.u32 v36, v20;
	[tilespmem:s0+$0xF600] =	vst v29;
	v13 =	vld.idx.msk [tilespmem:v13+s3+$0x0], $0xffff  }
0x17b: {  	v25 =	vor.u32 v40, v25;
	s0 =	rddreg [dreg:$0x3];
	[tilespmem:s30+$0xF600] =	vst v31;
	v14 =	vld.idx.msk [tilespmem:v14+s3+$0x0], $0xffff  }
0x17c: {  	v21 =	vor.u32 v37, v21;
	[tilespmem:s0+$0xF600] =	vst v30;
	v15 =	vld.idx.msk [tilespmem:v15+s3+$0x0], $0xffff  }
0x17d: {  	v18 =	vor.u32 v19, v18;
	v59 =	vld.idx.msk [tilespmem:v58+s3+$0x0], $0xffff;
	[tilespmem:s24+$0xF600] =	vst v10  }
0x17e: {  	v12 =	vor.u32 v12, v16;
	v24 =	vld.idx.msk [tilespmem:v24+s3+$0x0], $0xffff;
	[tilespmem:s6+$0xF600] =	vst v11  }
0x17f: {  	v60 =	vld.idx.msk [tilespmem:v20+s3+$0x0], $0xffff;
	v10 =	vor.u32 v38, v26;
	[tilespmem:s21+$0xF600] =	vst v13  }
0x180: {  	v9 =	vand.u32 $0x7F, v9;
	v61 =	vld.idx.msk [tilespmem:v25+s3+$0x0], $0xffff;
	v11 =	vor.u32 v17, v22;
	[tilespmem:s17+$0xF600] =	vst v14  }
0x181: {  	v9 =	vor.u32 v9, v23;
	v62 =	vld.idx.msk [tilespmem:v21+s3+$0x0], $0xffff;
	[tilespmem:s12+$0xF600] =	vst v15  }
0x182: {  	v63 =	vld.idx.msk [tilespmem:v18+s3+$0x0], $0xffff;
	[tilespmem:s10+$0xF600] =	vst v59  }
0x183: {  	v12 =	vld.idx.msk [tilespmem:v12+s3+$0x0], $0xffff;
	[tilespmem:s9+$0xF600] =	vst v24  }
0x184: {  	[tilespmem:s22+$0xF600] =	vst v60;
	v10 =	vld.idx.msk [tilespmem:v10+s3+$0x0], $0xffff  }
0x185: {  	[tilespmem:s8+$0xF600] =	vst v61;
	v11 =	vld.idx.msk [tilespmem:v11+s3+$0x0], $0xffff  }
0x186: {  	v9 =	vld.idx.msk [tilespmem:v9+s3+$0x0], $0xffff;
	[tilespmem:s1+$0xF600] =	vst v62  }
0x187: {  	[tilespmem:s4+$0xF600] =	vst v63  }
0x188: {  	[tilespmem:s15+$0xF600] =	vst v12  }
0x189: {  	[tilespmem:s23+$0xF600] =	vst v10  }
0x18a: {  	[tilespmem:s16+$0xF600] =	vst v11  }
0x18b: {  	s0 =	rddreg [dreg:$0x13];
	[tilespmem:s19+$0xF600] =	vst v9  }
0x18c: {  	s31 =	rddreg [dreg:$0x12]  }
0x18d: {  	s4 =	sadd.s32 $0x1, s31  }
0x18e: {  	p0 =	sne.s32 s4, $0x64  }
.Ltmp5:
0x18f: {  	_ = 	snop;
	(pc) =	sbr.rel @p0 .LBB2_3-.Ltmp5, $4  }
0x190: {  	s29 =	simm.s32 $0x400  }
0x191: {  	s2 =	simm.s32 $0x20000;
	s0 =	sshll.u32 s0, $0x10;
	s1 =	rddreg [dreg:$0x11]  }
0x192: {  	s13 =	simm.s32 $0x6600;
	s30 =	simm.s32 $0xF600;
	s0 =	sadd.s32 s0, s1  }
0x193: {  	[hbm4b:s0+s29] =	stream.strided.scatter [tilespmem:s30], [sflag:$0x4], $0x1000, s2, s29, $0x38;
	[tilespmem:$0x10600] =	vst v63  }
0x194: {  	s0 =	simm.s32 $0x3  }
0x195: {  	_ =	swait.ge [sflag:s0], $0x1000  }
0x196: {  	[sflag:s0] =	ssyncset.done $0x0  }
0x197: {  	s31 =	simm.s32 $0x4;
	[sflag:s0] =	ssyncadd.s32 $0xFFFFF000  }
0x198: {  	_ =	swait.ge [sflag:s31], $0x1000  }
0x199: {  	s1 =	rddreg [dreg:$0x10]  }
0x19a: {  	s1 =	sadd.s32 $0x1, s1  }
0x19b: {  	p0 =	sne.s32 s1, $0x4  }
.Ltmp6:
0x19c: {  	_ = 	snop;
	(pc) =	sbr.rel @p0 .LBB2_2-.Ltmp6, $3  }
0x19d: {  	_ =	sdelay $0x1  }
0x19e: {  	[sflag:s31] =	ssyncset.done $0x0  }
0x19f: {  	[sflag:s31] =	ssyncadd.s32 $0xFFFFF000  }
0x1a0: {  	s1 =	rddreg [dreg:$0xf]  }
0x1a1: {  	s0 =	rddreg [dreg:$0xe];
	s1 =	sadd.s32 $0x1, s1  }
0x1a2: {  	p0 =	sne.s32 s1, s0  }
.Ltmp7:
0x1a3: {  	_ = 	snop;
	(pc) =	sbr.rel @p0 .LBB2_1-.Ltmp7, $1  }
0x1a4: {  	_ =	sdelay $0x3  }
0x1a5: {  	_ =	sfence.sel $0x180000  }
0x1a6: {  	[bflag:$0x0] =	sbarrier.arrive $0xFFFF  }
0x1a7: {  	_ =	strace $0x90000047  }
0x1a8: {  	s0 =	stileid.u32;
	[bflag:$0x2] =	sbarrier.arrive $0xFFFF  }
0x1a9: {  	p0 =	sne.s32 s0, $0x0;
	s0 =	rddreg [dreg:$0x2]  }
0x1aa: {  	s0 =	sadd.s32 @!p0 $0x100000, s0  }
0x1ab: {  	[sflag:s0] =	ssyncadd.tile.s32 @!p0 $0x1;
	_ =	shalt  }
.Lfunc_end2:
_tile_overlayer_lowered:
.L_overlay_start_2:
0x1ac: {  	(tag) =	ssettag $0x2  }
0x1ad: {  	s0 =	rddreg [dreg:$0x0];
	s2 =	stileid.u32  }
0x1ae: {  	s1 =	rddreg [dreg:$0x1];
	p0 =	sne.s32 s2, $0x0  }
0x1af: {  	s3 =	rddreg [dreg:$0x2];
	[bflag:$0x3] =	sbarrier.arrive $0xFFFF;
	s2 =	simm.s32 @!p0 $0x1C05  }
0x1b0: {  	[timem:s3], [sflag:s2] =	dma.local @!p0 [hbm:s0], s1  }
0x1b1: {  	s0 =	simm.s32 @!p0 $0x5  }
0x1b2: {  	_ =	swait.ge @!p0 [sflag:s0], s1  }
0x1b3: {  	s1 =	ssub.s32 @!p0 $0x0, s1;
	[sflag:s0] =	ssyncset.done @!p0 $0x0  }
0x1b4: {  	[sflag:s0] =	ssyncadd.s32 @!p0 s1  }
0x1b5: {  	[bflag:$0x3] =	sbarrier.arrive $0xFFFF  }
0x1b6: {  	_ =	shalt  }

</sc_bundles>
